<compile_context>
chip_gen: v7x
topology: tpu7x:2x2x1
jax: 0.10.2.dev20260603
libtpu: 0.0.44.dev20260713+nightly
codegen_flags: <defaults>
</compile_context>

<pallas_src>
import jax
import jax.numpy as jnp
from jax import lax
from jax.experimental import pallas as pl
from jax.experimental.pallas import tpu as pltpu
from jax.experimental.pallas import tpu_sc as plsc

B, S, D, H, O, E, K = 1, 2048, 1024, 1024, 1024, 8, 2
TB = 256
NSLOT = S * K // TB + E - 1
NPAD = NSLOT * TB
SUB = 8
NC, NS = 2, 16
NW = NC * NS
SPW = S * SUB // NW
IPW = S * SUB // NW // 128


def _dot(a, b, precision=None):
    return jax.lax.dot_general(
        a, b, (((1,), (0,)), ((), ())),
        precision=precision, preferred_element_type=jnp.float32)


def _a1_body(x_ref, nw_ref, rwt_ref, ltri_ref, sh1_ref, sh1b_ref, sh2_ref,
             sh2b_ref, nout_ref, sh_ref, d1s_ref, d2s_ref,
             w1o_ref, w2o_ref, ex_ref):
    x = x_ref[...]
    var = jnp.mean(x * x, axis=-1, keepdims=True)
    normed = x * jax.lax.rsqrt(var + 1e-8) * nw_ref[...]
    nout_ref[...] = normed

    logits = _dot(normed, rwt_ref[...])
    probs = 1.0 / (1.0 + jnp.exp(-logits))
    eidx = jax.lax.broadcasted_iota(jnp.int32, probs.shape, 1)
    m1 = jnp.max(probs, axis=-1, keepdims=True)
    i1 = jnp.min(jnp.where(probs == m1, eidx, E), axis=-1, keepdims=True)
    probs2 = jnp.where(eidx == i1, -1.0, probs)
    m2 = jnp.max(probs2, axis=-1, keepdims=True)
    i2 = jnp.min(jnp.where(probs2 == m2, eidx, E), axis=-1, keepdims=True)
    denom = m1 + m2 + 1e-6
    w1o_ref[...] = m1 / denom
    w2o_ref[...] = m2 / denom

    oh1 = (eidx == i1).astype(jnp.float32)
    oh2 = (eidx == i2).astype(jnp.float32)
    sel = oh1 + oh2
    prefix = _dot(ltri_ref[...], sel.astype(jnp.bfloat16))
    g = prefix[S - 1:S, :] + sel[S - 1:S, :]
    scnt = jnp.ceil(g * (1.0 / TB))
    u_r = jax.lax.broadcasted_iota(jnp.int32, (E, E), 0)
    u_c = jax.lax.broadcasted_iota(jnp.int32, (E, E), 1)
    ustrict = (u_r < u_c).astype(jnp.float32)
    spoff = _dot(scnt, ustrict)
    poff = spoff * float(TB)
    dest1 = jnp.sum(oh1 * (poff + prefix), axis=-1, keepdims=True)
    dest2 = jnp.sum(oh2 * (poff + prefix), axis=-1, keepdims=True)
    j8 = jax.lax.broadcasted_iota(jnp.int32, (1, SUB), 1).astype(jnp.float32)
    d1s_ref[...] = (dest1 * float(SUB) + j8).astype(jnp.int32)
    d2s_ref[...] = (dest2 * float(SUB) + j8).astype(jnp.int32)
    s_i = jax.lax.broadcasted_iota(jnp.int32, (32, 1), 0).astype(jnp.float32)
    cnt = jnp.sum((jnp.broadcast_to(spoff, (32, E)) <= s_i).astype(
        jnp.float32), axis=-1, keepdims=True)
    ex_ref[...] = (cnt - 1.0).astype(jnp.int32)

    for t in range(4):
        nb = normed[t * 512:(t + 1) * 512].astype(jnp.bfloat16)
        h = jnp.maximum(_dot(nb, sh1_ref[...]) + sh1b_ref[...], 0.0)
        sh_ref[pl.ds(t * 512, 512), :] = (
            _dot(h.astype(jnp.bfloat16), sh2_ref[...]) + sh2b_ref[...])


def _run_a1(x, norm_w, rwt, ltri, sh1t, sh1b, sh2t, sh2b):
    c = lambda i: (0, 0)
    return pl.pallas_call(
        _a1_body,
        grid=(1,),
        in_specs=[pl.BlockSpec((S, D), c),
                  pl.BlockSpec((1, D), c),
                  pl.BlockSpec((D, E), c),
                  pl.BlockSpec((S, S), c),
                  pl.BlockSpec((D, H), c),
                  pl.BlockSpec((1, H), c),
                  pl.BlockSpec((H, O), c),
                  pl.BlockSpec((1, O), c)],
        out_specs=[pl.BlockSpec((S, D), c),
                   pl.BlockSpec((S, O), c),
                   pl.BlockSpec((S, SUB), c),
                   pl.BlockSpec((S, SUB), c),
                   pl.BlockSpec((S, 1), c),
                   pl.BlockSpec((S, 1), c),
                   pl.BlockSpec((32, 1), c)],
        out_shape=[jax.ShapeDtypeStruct((S, D), jnp.float32),
                   jax.ShapeDtypeStruct((S, O), jnp.float32),
                   jax.ShapeDtypeStruct((S, SUB), jnp.int32),
                   jax.ShapeDtypeStruct((S, SUB), jnp.int32),
                   jax.ShapeDtypeStruct((S, 1), jnp.float32),
                   jax.ShapeDtypeStruct((S, 1), jnp.float32),
                   jax.ShapeDtypeStruct((32, 1), jnp.int32)],
        compiler_params=pltpu.CompilerParams(
            dimension_semantics=("arbitrary",)),
    )(x, norm_w.reshape(1, D), rwt, ltri, sh1t, sh1b.reshape(1, H),
      sh2t, sh2b.reshape(1, O))


def _b_body(xp_hbm, d1_hbm, d2_hbm, out_hbm, idx_v, rows_v, sem):
    wid = lax.axis_index("s") * NC + lax.axis_index("c")
    base = wid * SPW
    pltpu.sync_copy(xp_hbm.at[pl.ds(base, SPW)], rows_v)
    for dm in (d1_hbm, d2_hbm):
        for j in range(IPW):
            pltpu.sync_copy(dm.at[wid * IPW + j], idx_v)
            pltpu.async_copy(rows_v.at[pl.ds(j * 128, 128)],
                             out_hbm.at[idx_v], sem).wait()


def _run_b(xp_lin, d1m, d2m):
    mesh = plsc.VectorSubcoreMesh(
        core_axis_name="c", subcore_axis_name="s",
        num_cores=NC, num_subcores=NS)
    return pl.kernel(
        _b_body,
        out_type=jax.ShapeDtypeStruct((NPAD * SUB, 128), jnp.float32),
        mesh=mesh,
        scratch_types=[pltpu.VMEM((128,), jnp.int32),
                       pltpu.VMEM((SPW, 128), jnp.float32),
                       pltpu.SemaphoreType.DMA],
    )(xp_lin, d1m, d2m)


def _c_body(ex_ref, x_ref, w1_ref, b1_ref, w2_ref, b2_ref, o_ref):
    xb = jnp.reshape(x_ref[...], (TB, D)).astype(jnp.bfloat16)
    h = jnp.maximum(_dot(xb, w1_ref[0]) + b1_ref[0], 0.0)
    y = _dot(h.astype(jnp.bfloat16), w2_ref[0]) + b2_ref[0]
    o_ref[...] = jnp.reshape(y, (TB * SUB, 128))


def _run_c(ex_tab, x_padded_lin, w1t, b1e, w2t, b2e):
    return pl.pallas_call(
        _c_body,
        grid_spec=pltpu.PrefetchScalarGridSpec(
            num_scalar_prefetch=1,
            grid=(NSLOT,),
            in_specs=[
                pl.BlockSpec((TB * SUB, 128), lambda s, ex: (s, 0)),
                pl.BlockSpec((1, D, H), lambda s, ex: (ex[s], 0, 0)),
                pl.BlockSpec((1, 1, H), lambda s, ex: (ex[s], 0, 0)),
                pl.BlockSpec((1, H, O), lambda s, ex: (ex[s], 0, 0)),
                pl.BlockSpec((1, 1, O), lambda s, ex: (ex[s], 0, 0)),
            ],
            out_specs=pl.BlockSpec((TB * SUB, 128), lambda s, ex: (s, 0)),
        ),
        out_shape=jax.ShapeDtypeStruct((NPAD * SUB, 128), jnp.float32),
        compiler_params=pltpu.CompilerParams(
            dimension_semantics=("arbitrary",)),
    )(ex_tab, x_padded_lin, w1t, b1e.reshape(E, 1, H), w2t,
      b2e.reshape(E, 1, O))


def _d_body(yp_hbm, d1_hbm, d2_hbm, r1_hbm, r2_hbm, idx_v, rows_v, sem):
    wid = lax.axis_index("s") * NC + lax.axis_index("c")
    base = wid * SPW
    for dm, r_hbm in ((d1_hbm, r1_hbm), (d2_hbm, r2_hbm)):
        for j in range(IPW):
            pltpu.sync_copy(dm.at[wid * IPW + j], idx_v)
            pltpu.async_copy(yp_hbm.at[idx_v],
                             rows_v.at[pl.ds(j * 128, 128)], sem).wait()
        pltpu.sync_copy(rows_v, r_hbm.at[pl.ds(base, SPW)])


def _run_d(yp_lin, d1m, d2m):
    mesh = plsc.VectorSubcoreMesh(
        core_axis_name="c", subcore_axis_name="s",
        num_cores=NC, num_subcores=NS)
    return pl.kernel(
        _d_body,
        out_type=[jax.ShapeDtypeStruct((S * SUB, 128), jnp.float32),
                  jax.ShapeDtypeStruct((S * SUB, 128), jnp.float32)],
        mesh=mesh,
        scratch_types=[pltpu.VMEM((128,), jnp.int32),
                       pltpu.VMEM((SPW, 128), jnp.float32),
                       pltpu.SemaphoreType.DMA],
    )(yp_lin, d1m, d2m)


def _e_body(sh_ref, r1_ref, r2_ref, w1_ref, w2_ref, o_ref):
    o_ref[...] = (sh_ref[...] + w1_ref[...] * r1_ref[...]
                  + w2_ref[...] * r2_ref[...])


def _run_e(shared_lin, r1_lin, r2_lin, w1s, w2s):
    m = lambda i: (i, 0)
    blk = 2048
    return pl.pallas_call(
        _e_body,
        grid=(S * SUB // blk,),
        in_specs=[pl.BlockSpec((blk, 128), m),
                  pl.BlockSpec((blk, 128), m),
                  pl.BlockSpec((blk, 128), m),
                  pl.BlockSpec((blk, 1), m),
                  pl.BlockSpec((blk, 1), m)],
        out_specs=pl.BlockSpec((blk, 128), m),
        out_shape=jax.ShapeDtypeStruct((S * SUB, 128), jnp.float32),
        compiler_params=pltpu.CompilerParams(
            dimension_semantics=("arbitrary",)),
    )(shared_lin, r1_lin, r2_lin, w1s, w2s)


def kernel(hidden_states, norm_w, router_w, sh_fc1_w, sh_fc1_b, sh_fc2_w,
           sh_fc2_b, ex_fc1_w, ex_fc1_b, ex_fc2_w, ex_fc2_b):
    x = hidden_states.reshape(S, D)
    rwt = router_w.T
    sh1t = sh_fc1_w.T.astype(jnp.bfloat16)
    sh2t = sh_fc2_w.T.astype(jnp.bfloat16)
    w1t = ex_fc1_w.transpose(0, 2, 1).astype(jnp.bfloat16)
    w2t = ex_fc2_w.transpose(0, 2, 1).astype(jnp.bfloat16)

    ltri = jnp.tril(jnp.ones((S, S), jnp.bfloat16), -1)
    normed, shared, d1s, d2s, w1o, w2o, ex32 = _run_a1(
        x, norm_w, rwt, ltri, sh1t, sh_fc1_b, sh2t, sh_fc2_b)
    ex_tab = ex32.reshape(32)[:NSLOT]
    d1m = d1s.reshape(S * SUB // 128, 128)
    d2m = d2s.reshape(S * SUB // 128, 128)
    xp_lin = normed.reshape(S * SUB, 128)

    x_padded_lin = _run_b(xp_lin, d1m, d2m)
    y_padded_lin = _run_c(ex_tab, x_padded_lin, w1t, ex_fc1_b, w2t, ex_fc2_b)
    r1_lin, r2_lin = _run_d(y_padded_lin, d1m, d2m)

    shared_lin = shared.reshape(S * SUB, 128)
    w1s = jnp.repeat(w1o, SUB, axis=0)
    w2s = jnp.repeat(w2o, SUB, axis=0)
    out_lin = _run_e(shared_lin, r1_lin, r2_lin, w1s, w2s)
    return out_lin.reshape(B, S, O)

# --- scband reference (transcript-rebuilt; emitter-appended) ---
"""Pipeline reference for scband-shared-mo-eblock-34548716929039 (READ-ONLY COPY).

The authoritative reference and input builder live on the scoring server;
editing this copy changes nothing except your own understanding.
"""

import jax, jax.numpy as jnp
import numpy as np

B, S, D, H, O, E, K = 1, 2048, 1024, 1024, 1024, 8, 2


def setup_inputs(seed: int = 0):
    key = jax.random.key(seed)
    ks = jax.random.split(key, 12)
    hidden_states = jax.random.normal(ks[0], (B, S, D), dtype=jnp.float32)
    norm_w = jnp.ones((D,), dtype=jnp.float32)
    router_w = jax.random.normal(ks[1], (E, D), dtype=jnp.float32) * 0.02
    sh_fc1_w = jax.random.normal(ks[2], (H, D), dtype=jnp.float32) * (1.0 / np.sqrt(D))
    sh_fc1_b = jnp.zeros((H,), dtype=jnp.float32)
    sh_fc2_w = jax.random.normal(ks[3], (O, H), dtype=jnp.float32) * (1.0 / np.sqrt(H))
    sh_fc2_b = jnp.zeros((O,), dtype=jnp.float32)
    ex_fc1_w = jax.random.normal(ks[4], (E, H, D), dtype=jnp.float32) * (1.0 / np.sqrt(D))
    ex_fc1_b = jnp.zeros((E, H), dtype=jnp.float32)
    ex_fc2_w = jax.random.normal(ks[5], (E, O, H), dtype=jnp.float32) * (1.0 / np.sqrt(H))
    ex_fc2_b = jnp.zeros((E, O), dtype=jnp.float32)
    return {
        "hidden_states": hidden_states,
        "norm_w": norm_w,
        "router_w": router_w,
        "sh_fc1_w": sh_fc1_w,
        "sh_fc1_b": sh_fc1_b,
        "sh_fc2_w": sh_fc2_w,
        "sh_fc2_b": sh_fc2_b,
        "ex_fc1_w": ex_fc1_w,
        "ex_fc1_b": ex_fc1_b,
        "ex_fc2_w": ex_fc2_w,
        "ex_fc2_b": ex_fc2_b,
    }


def reference(hidden_states, norm_w, router_w, sh_fc1_w, sh_fc1_b, sh_fc2_w, sh_fc2_b,
              ex_fc1_w, ex_fc1_b, ex_fc2_w, ex_fc2_b):
    b, s, d = hidden_states.shape
    # LlamaRMSNorm (eps=1e-8)
    var = jnp.mean(jnp.square(hidden_states), axis=-1, keepdims=True)
    normed = hidden_states * jax.lax.rsqrt(var + 1e-8) * norm_w
    # shared expert (SimpleAdapter)
    shared = jnp.maximum(normed @ sh_fc1_w.T + sh_fc1_b, 0.0) @ sh_fc2_w.T + sh_fc2_b
    flat = normed.reshape(-1, d)
    n = flat.shape[0]
    num_experts = router_w.shape[0]
    # router: sigmoid probs, top-k, renormalized weights
    router_logits = flat @ router_w.T
    router_probs = jax.nn.sigmoid(router_logits)
    top_k_scores, top_k_idx = jax.lax.top_k(router_probs, K)
    top_k_weights = top_k_scores / (jnp.sum(top_k_scores, axis=-1, keepdims=True) + 1e-6)
    # scatter top-k weights into dense [N, E] combine weights (equivalent to index_add dispatch)
    cw = jnp.zeros((n, num_experts), dtype=flat.dtype).at[
        jnp.arange(n)[:, None], top_k_idx].add(top_k_weights)
    # routed experts (mathematically identical to masked gather/scatter dispatch)
    h = jnp.maximum(jnp.einsum('nd,ehd->neh', flat, ex_fc1_w) + ex_fc1_b, 0.0)
    y = jnp.einsum('neh,eoh->neo', h, ex_fc2_w) + ex_fc2_b
    routed = jnp.einsum('neo,ne->no', y, cw)
    return shared + routed.reshape(b, s, -1)

if __name__ == "__main__":
    import jax
    _d = setup_inputs()
    print(jax.jit(kernel)(*tuple(_d.values())))

</pallas_src>

<mosaic_0001>
#map = affine_map<(d0, d1) -> (0, 0)>
module attributes {stable_mosaic.version = 14 : i64} {
  func.func @_d_body(%arg0: i32, %arg1: i32, %arg2: memref<47104x128xf32, #tpu.memory_space<hbm>>, %arg3: memref<128x128xi32, #tpu.memory_space<hbm>>, %arg4: memref<128x128xi32, #tpu.memory_space<hbm>>, %arg5: memref<16384x128xf32, #tpu.memory_space<hbm>>, %arg6: memref<16384x128xf32, #tpu.memory_space<hbm>>, %arg7: memref<128xi32, #tpu.memory_space<vmem>>, %arg8: memref<512x128xf32, #tpu.memory_space<vmem>>, %arg9: memref<!tpu.dma_semaphore, #tpu.memory_space<semaphore_mem>>) attributes {dimension_semantics = [#tpu.dimension_semantics<core_parallel>, #tpu.dimension_semantics<subcore_parallel>], iteration_bounds = array<i64: 2, 16>, scalar_prefetch = 0 : i64, scratch_operands = 3 : i64, tpu.core_type = #tpu.core_type<sc_vector_subcore>, window_params = [{transform_indices = #map}, {transform_indices = #map}, {transform_indices = #map}, {transform_indices = #map}, {transform_indices = #map}]} {
    %mul3A = arith.constant 2 : i32
    %mul3A_0 = arith.muli %arg1, %mul3A : i32
    %add3A = arith.addi %mul3A_0, %arg0 : i32
    %mul3A_1 = arith.constant 512 : i32
    %mul3A_2 = arith.muli %add3A, %mul3A_1 : i32
    %mul3A_3 = arith.constant 4 : i32
    %mul3A_4 = arith.muli %add3A, %mul3A_3 : i32
    %add3A_5 = arith.constant 0 : i32
    %add3A_6 = arith.addi %mul3A_4, %add3A_5 : i32
    "tpu.region"() ({
      %run_scoped3A = tpu.sem_alloc : memref<!tpu.dma_semaphore, #tpu.memory_space<semaphore_mem>>
      %dma_start3A_129 = arith.constant 0 : i32
      %dma_start3A_130 = tpu.memref_slice %arg3[%add3A_6, %dma_start3A_129] : memref<128x128xi32, #tpu.memory_space<hbm>> -> memref<1x128xi32, #tpu.memory_space<hbm>>
      %dma_start3A_131 = tpu.memref_squeeze %dma_start3A_130 : memref<1x128xi32, #tpu.memory_space<hbm>> -> memref<128xi32, #tpu.memory_space<hbm>>
      %dma_start3A_132 = arith.constant 0 : i32
      %dma_start3A_133 = tpu.memref_slice %arg3[%add3A_6, %dma_start3A_132] : memref<128x128xi32, #tpu.memory_space<hbm>> -> memref<1x128xi32, #tpu.memory_space<hbm>>
      %dma_start3A_134 = tpu.memref_squeeze %dma_start3A_133 : memref<1x128xi32, #tpu.memory_space<hbm>> -> memref<128xi32, #tpu.memory_space<hbm>>
      tpu.enqueue_dma source(%dma_start3A_134 : memref<128xi32, #tpu.memory_space<hbm>>) target(%arg7 : memref<128xi32, #tpu.memory_space<vmem>>) target_semaphore(%run_scoped3A : memref<!tpu.dma_semaphore, #tpu.memory_space<semaphore_mem>>)
      %dma_wait3A_135 = arith.constant 0 : i32
      %dma_wait3A_136 = tpu.memref_slice %arg3[%add3A_6, %dma_wait3A_135] : memref<128x128xi32, #tpu.memory_space<hbm>> -> memref<1x128xi32, #tpu.memory_space<hbm>>
      %dma_wait3A_137 = tpu.memref_squeeze %dma_wait3A_136 : memref<1x128xi32, #tpu.memory_space<hbm>> -> memref<128xi32, #tpu.memory_space<hbm>>
      %dma_wait3A_138 = arith.constant 0 : i32
      %dma_wait3A_139 = tpu.memref_slice %arg3[%add3A_6, %dma_wait3A_138] : memref<128x128xi32, #tpu.memory_space<hbm>> -> memref<1x128xi32, #tpu.memory_space<hbm>>
      %dma_wait3A_140 = tpu.memref_squeeze %dma_wait3A_139 : memref<1x128xi32, #tpu.memory_space<hbm>> -> memref<128xi32, #tpu.memory_space<hbm>>
      tpu.wait_dma2 semaphore(%run_scoped3A : memref<!tpu.dma_semaphore, #tpu.memory_space<semaphore_mem>>) src(%dma_wait3A_140 : memref<128xi32, #tpu.memory_space<hbm>>) dst(%arg7 : memref<128xi32, #tpu.memory_space<vmem>>)
      tpu.yield
    }) : () -> ()
    %dma_start3A = arith.constant 0 : i32
    %dma_start3A_7 = arith.constant 0 : i32
    %dma_start3A_8 = tpu.memref_slice %arg8[%dma_start3A, %dma_start3A_7] : memref<512x128xf32, #tpu.memory_space<vmem>> -> memref<128x128xf32, #tpu.memory_space<vmem>>
    %dma_start3A_9 = arith.constant 0 : i32
    %dma_start3A_10 = arith.constant 0 : i32
    %dma_start3A_11 = tpu.memref_slice %arg2[%dma_start3A_9, %dma_start3A_10] : memref<47104x128xf32, #tpu.memory_space<hbm>> -> memref<47104x128xf32, #tpu.memory_space<hbm>>
    tpu.enqueue_indirect_dma source(%dma_start3A_11 : memref<47104x128xf32, #tpu.memory_space<hbm>>) target(%dma_start3A_8 : memref<128x128xf32, #tpu.memory_space<vmem>>) offsets(%arg7 : memref<128xi32, #tpu.memory_space<vmem>>) semaphore(%arg9 : memref<!tpu.dma_semaphore, #tpu.memory_space<semaphore_mem>>)
    %dma_wait3A = arith.constant 0 : i32
    %dma_wait3A_12 = arith.constant 0 : i32
    %dma_wait3A_13 = tpu.memref_slice %arg8[%dma_wait3A, %dma_wait3A_12] : memref<512x128xf32, #tpu.memory_space<vmem>> -> memref<128x128xf32, #tpu.memory_space<vmem>>
    %dma_wait3A_14 = arith.constant 0 : i32
    %dma_wait3A_15 = arith.constant 0 : i32
    %dma_wait3A_16 = tpu.memref_slice %arg2[%dma_wait3A_14, %dma_wait3A_15] : memref<47104x128xf32, #tpu.memory_space<hbm>> -> memref<47104x128xf32, #tpu.memory_space<hbm>>
    tpu.wait_indirect_dma semaphore(%arg9 : memref<!tpu.dma_semaphore, #tpu.memory_space<semaphore_mem>>) src(%dma_wait3A_16 : memref<47104x128xf32, #tpu.memory_space<hbm>>) dst(%dma_wait3A_13 : memref<128x128xf32, #tpu.memory_space<vmem>>)
    %mul3A_17 = arith.constant 4 : i32
    %mul3A_18 = arith.muli %add3A, %mul3A_17 : i32
    %add3A_19 = arith.constant 1 : i32
    %add3A_20 = arith.addi %mul3A_18, %add3A_19 : i32
    "tpu.region"() ({
      %run_scoped3A = tpu.sem_alloc : memref<!tpu.dma_semaphore, #tpu.memory_space<semaphore_mem>>
      %dma_start3A_129 = arith.constant 0 : i32
      %dma_start3A_130 = tpu.memref_slice %arg3[%add3A_20, %dma_start3A_129] : memref<128x128xi32, #tpu.memory_space<hbm>> -> memref<1x128xi32, #tpu.memory_space<hbm>>
      %dma_start3A_131 = tpu.memref_squeeze %dma_start3A_130 : memref<1x128xi32, #tpu.memory_space<hbm>> -> memref<128xi32, #tpu.memory_space<hbm>>
      %dma_start3A_132 = arith.constant 0 : i32
      %dma_start3A_133 = tpu.memref_slice %arg3[%add3A_20, %dma_start3A_132] : memref<128x128xi32, #tpu.memory_space<hbm>> -> memref<1x128xi32, #tpu.memory_space<hbm>>
      %dma_start3A_134 = tpu.memref_squeeze %dma_start3A_133 : memref<1x128xi32, #tpu.memory_space<hbm>> -> memref<128xi32, #tpu.memory_space<hbm>>
      tpu.enqueue_dma source(%dma_start3A_134 : memref<128xi32, #tpu.memory_space<hbm>>) target(%arg7 : memref<128xi32, #tpu.memory_space<vmem>>) target_semaphore(%run_scoped3A : memref<!tpu.dma_semaphore, #tpu.memory_space<semaphore_mem>>)
      %dma_wait3A_135 = arith.constant 0 : i32
      %dma_wait3A_136 = tpu.memref_slice %arg3[%add3A_20, %dma_wait3A_135] : memref<128x128xi32, #tpu.memory_space<hbm>> -> memref<1x128xi32, #tpu.memory_space<hbm>>
      %dma_wait3A_137 = tpu.memref_squeeze %dma_wait3A_136 : memref<1x128xi32, #tpu.memory_space<hbm>> -> memref<128xi32, #tpu.memory_space<hbm>>
      %dma_wait3A_138 = arith.constant 0 : i32
      %dma_wait3A_139 = tpu.memref_slice %arg3[%add3A_20, %dma_wait3A_138] : memref<128x128xi32, #tpu.memory_space<hbm>> -> memref<1x128xi32, #tpu.memory_space<hbm>>
      %dma_wait3A_140 = tpu.memref_squeeze %dma_wait3A_139 : memref<1x128xi32, #tpu.memory_space<hbm>> -> memref<128xi32, #tpu.memory_space<hbm>>
      tpu.wait_dma2 semaphore(%run_scoped3A : memref<!tpu.dma_semaphore, #tpu.memory_space<semaphore_mem>>) src(%dma_wait3A_140 : memref<128xi32, #tpu.memory_space<hbm>>) dst(%arg7 : memref<128xi32, #tpu.memory_space<vmem>>)
      tpu.yield
    }) : () -> ()
    %dma_start3A_21 = arith.constant 128 : i32
    %dma_start3A_22 = arith.constant 0 : i32
    %dma_start3A_23 = tpu.memref_slice %arg8[%dma_start3A_21, %dma_start3A_22] : memref<512x128xf32, #tpu.memory_space<vmem>> -> memref<128x128xf32, #tpu.memory_space<vmem>>
    %dma_start3A_24 = arith.constant 0 : i32
    %dma_start3A_25 = arith.constant 0 : i32
    %dma_start3A_26 = tpu.memref_slice %arg2[%dma_start3A_24, %dma_start3A_25] : memref<47104x128xf32, #tpu.memory_space<hbm>> -> memref<47104x128xf32, #tpu.memory_space<hbm>>
    tpu.enqueue_indirect_dma source(%dma_start3A_26 : memref<47104x128xf32, #tpu.memory_space<hbm>>) target(%dma_start3A_23 : memref<128x128xf32, #tpu.memory_space<vmem>>) offsets(%arg7 : memref<128xi32, #tpu.memory_space<vmem>>) semaphore(%arg9 : memref<!tpu.dma_semaphore, #tpu.memory_space<semaphore_mem>>)
    %dma_wait3A_27 = arith.constant 128 : i32
    %dma_wait3A_28 = arith.constant 0 : i32
    %dma_wait3A_29 = tpu.memref_slice %arg8[%dma_wait3A_27, %dma_wait3A_28] : memref<512x128xf32, #tpu.memory_space<vmem>> -> memref<128x128xf32, #tpu.memory_space<vmem>>
    %dma_wait3A_30 = arith.constant 0 : i32
    %dma_wait3A_31 = arith.constant 0 : i32
    %dma_wait3A_32 = tpu.memref_slice %arg2[%dma_wait3A_30, %dma_wait3A_31] : memref<47104x128xf32, #tpu.memory_space<hbm>> -> memref<47104x128xf32, #tpu.memory_space<hbm>>
    tpu.wait_indirect_dma semaphore(%arg9 : memref<!tpu.dma_semaphore, #tpu.memory_space<semaphore_mem>>) src(%dma_wait3A_32 : memref<47104x128xf32, #tpu.memory_space<hbm>>) dst(%dma_wait3A_29 : memref<128x128xf32, #tpu.memory_space<vmem>>)
    %mul3A_33 = arith.constant 4 : i32
    %mul3A_34 = arith.muli %add3A, %mul3A_33 : i32
    %add3A_35 = arith.constant 2 : i32
    %add3A_36 = arith.addi %mul3A_34, %add3A_35 : i32
    "tpu.region"() ({
      %run_scoped3A = tpu.sem_alloc : memref<!tpu.dma_semaphore, #tpu.memory_space<semaphore_mem>>
      %dma_start3A_129 = arith.constant 0 : i32
      %dma_start3A_130 = tpu.memref_slice %arg3[%add3A_36, %dma_start3A_129] : memref<128x128xi32, #tpu.memory_space<hbm>> -> memref<1x128xi32, #tpu.memory_space<hbm>>
      %dma_start3A_131 = tpu.memref_squeeze %dma_start3A_130 : memref<1x128xi32, #tpu.memory_space<hbm>> -> memref<128xi32, #tpu.memory_space<hbm>>
      %dma_start3A_132 = arith.constant 0 : i32
      %dma_start3A_133 = tpu.memref_slice %arg3[%add3A_36, %dma_start3A_132] : memref<128x128xi32, #tpu.memory_space<hbm>> -> memref<1x128xi32, #tpu.memory_space<hbm>>
      %dma_start3A_134 = tpu.memref_squeeze %dma_start3A_133 : memref<1x128xi32, #tpu.memory_space<hbm>> -> memref<128xi32, #tpu.memory_space<hbm>>
      tpu.enqueue_dma source(%dma_start3A_134 : memref<128xi32, #tpu.memory_space<hbm>>) target(%arg7 : memref<128xi32, #tpu.memory_space<vmem>>) target_semaphore(%run_scoped3A : memref<!tpu.dma_semaphore, #tpu.memory_space<semaphore_mem>>)
      %dma_wait3A_135 = arith.constant 0 : i32
      %dma_wait3A_136 = tpu.memref_slice %arg3[%add3A_36, %dma_wait3A_135] : memref<128x128xi32, #tpu.memory_space<hbm>> -> memref<1x128xi32, #tpu.memory_space<hbm>>
      %dma_wait3A_137 = tpu.memref_squeeze %dma_wait3A_136 : memref<1x128xi32, #tpu.memory_space<hbm>> -> memref<128xi32, #tpu.memory_space<hbm>>
      %dma_wait3A_138 = arith.constant 0 : i32
      %dma_wait3A_139 = tpu.memref_slice %arg3[%add3A_36, %dma_wait3A_138] : memref<128x128xi32, #tpu.memory_space<hbm>> -> memref<1x128xi32, #tpu.memory_space<hbm>>
      %dma_wait3A_140 = tpu.memref_squeeze %dma_wait3A_139 : memref<1x128xi32, #tpu.memory_space<hbm>> -> memref<128xi32, #tpu.memory_space<hbm>>
      tpu.wait_dma2 semaphore(%run_scoped3A : memref<!tpu.dma_semaphore, #tpu.memory_space<semaphore_mem>>) src(%dma_wait3A_140 : memref<128xi32, #tpu.memory_space<hbm>>) dst(%arg7 : memref<128xi32, #tpu.memory_space<vmem>>)
      tpu.yield
    }) : () -> ()
    %dma_start3A_37 = arith.constant 256 : i32
    %dma_start3A_38 = arith.constant 0 : i32
    %dma_start3A_39 = tpu.memref_slice %arg8[%dma_start3A_37, %dma_start3A_38] : memref<512x128xf32, #tpu.memory_space<vmem>> -> memref<128x128xf32, #tpu.memory_space<vmem>>
    %dma_start3A_40 = arith.constant 0 : i32
    %dma_start3A_41 = arith.constant 0 : i32
    %dma_start3A_42 = tpu.memref_slice %arg2[%dma_start3A_40, %dma_start3A_41] : memref<47104x128xf32, #tpu.memory_space<hbm>> -> memref<47104x128xf32, #tpu.memory_space<hbm>>
    tpu.enqueue_indirect_dma source(%dma_start3A_42 : memref<47104x128xf32, #tpu.memory_space<hbm>>) target(%dma_start3A_39 : memref<128x128xf32, #tpu.memory_space<vmem>>) offsets(%arg7 : memref<128xi32, #tpu.memory_space<vmem>>) semaphore(%arg9 : memref<!tpu.dma_semaphore, #tpu.memory_space<semaphore_mem>>)
    %dma_wait3A_43 = arith.constant 256 : i32
    %dma_wait3A_44 = arith.constant 0 : i32
    %dma_wait3A_45 = tpu.memref_slice %arg8[%dma_wait3A_43, %dma_wait3A_44] : memref<512x128xf32, #tpu.memory_space<vmem>> -> memref<128x128xf32, #tpu.memory_space<vmem>>
    %dma_wait3A_46 = arith.constant 0 : i32
    %dma_wait3A_47 = arith.constant 0 : i32
    %dma_wait3A_48 = tpu.memref_slice %arg2[%dma_wait3A_46, %dma_wait3A_47] : memref<47104x128xf32, #tpu.memory_space<hbm>> -> memref<47104x128xf32, #tpu.memory_space<hbm>>
    tpu.wait_indirect_dma semaphore(%arg9 : memref<!tpu.dma_semaphore, #tpu.memory_space<semaphore_mem>>) src(%dma_wait3A_48 : memref<47104x128xf32, #tpu.memory_space<hbm>>) dst(%dma_wait3A_45 : memref<128x128xf32, #tpu.memory_space<vmem>>)
    %mul3A_49 = arith.constant 4 : i32
    %mul3A_50 = arith.muli %add3A, %mul3A_49 : i32
    %add3A_51 = arith.constant 3 : i32
    %add3A_52 = arith.addi %mul3A_50, %add3A_51 : i32
    "tpu.region"() ({
      %run_scoped3A = tpu.sem_alloc : memref<!tpu.dma_semaphore, #tpu.memory_space<semaphore_mem>>
      %dma_start3A_129 = arith.constant 0 : i32
      %dma_start3A_130 = tpu.memref_slice %arg3[%add3A_52, %dma_start3A_129] : memref<128x128xi32, #tpu.memory_space<hbm>> -> memref<1x128xi32, #tpu.memory_space<hbm>>
      %dma_start3A_131 = tpu.memref_squeeze %dma_start3A_130 : memref<1x128xi32, #tpu.memory_space<hbm>> -> memref<128xi32, #tpu.memory_space<hbm>>
      %dma_start3A_132 = arith.constant 0 : i32
      %dma_start3A_133 = tpu.memref_slice %arg3[%add3A_52, %dma_start3A_132] : memref<128x128xi32, #tpu.memory_space<hbm>> -> memref<1x128xi32, #tpu.memory_space<hbm>>
      %dma_start3A_134 = tpu.memref_squeeze %dma_start3A_133 : memref<1x128xi32, #tpu.memory_space<hbm>> -> memref<128xi32, #tpu.memory_space<hbm>>
      tpu.enqueue_dma source(%dma_start3A_134 : memref<128xi32, #tpu.memory_space<hbm>>) target(%arg7 : memref<128xi32, #tpu.memory_space<vmem>>) target_semaphore(%run_scoped3A : memref<!tpu.dma_semaphore, #tpu.memory_space<semaphore_mem>>)
      %dma_wait3A_135 = arith.constant 0 : i32
      %dma_wait3A_136 = tpu.memref_slice %arg3[%add3A_52, %dma_wait3A_135] : memref<128x128xi32, #tpu.memory_space<hbm>> -> memref<1x128xi32, #tpu.memory_space<hbm>>
      %dma_wait3A_137 = tpu.memref_squeeze %dma_wait3A_136 : memref<1x128xi32, #tpu.memory_space<hbm>> -> memref<128xi32, #tpu.memory_space<hbm>>
      %dma_wait3A_138 = arith.constant 0 : i32
      %dma_wait3A_139 = tpu.memref_slice %arg3[%add3A_52, %dma_wait3A_138] : memref<128x128xi32, #tpu.memory_space<hbm>> -> memref<1x128xi32, #tpu.memory_space<hbm>>
      %dma_wait3A_140 = tpu.memref_squeeze %dma_wait3A_139 : memref<1x128xi32, #tpu.memory_space<hbm>> -> memref<128xi32, #tpu.memory_space<hbm>>
      tpu.wait_dma2 semaphore(%run_scoped3A : memref<!tpu.dma_semaphore, #tpu.memory_space<semaphore_mem>>) src(%dma_wait3A_140 : memref<128xi32, #tpu.memory_space<hbm>>) dst(%arg7 : memref<128xi32, #tpu.memory_space<vmem>>)
      tpu.yield
    }) : () -> ()
    %dma_start3A_53 = arith.constant 384 : i32
    %dma_start3A_54 = arith.constant 0 : i32
    %dma_start3A_55 = tpu.memref_slice %arg8[%dma_start3A_53, %dma_start3A_54] : memref<512x128xf32, #tpu.memory_space<vmem>> -> memref<128x128xf32, #tpu.memory_space<vmem>>
    %dma_start3A_56 = arith.constant 0 : i32
    %dma_start3A_57 = arith.constant 0 : i32
    %dma_start3A_58 = tpu.memref_slice %arg2[%dma_start3A_56, %dma_start3A_57] : memref<47104x128xf32, #tpu.memory_space<hbm>> -> memref<47104x128xf32, #tpu.memory_space<hbm>>
    tpu.enqueue_indirect_dma source(%dma_start3A_58 : memref<47104x128xf32, #tpu.memory_space<hbm>>) target(%dma_start3A_55 : memref<128x128xf32, #tpu.memory_space<vmem>>) offsets(%arg7 : memref<128xi32, #tpu.memory_space<vmem>>) semaphore(%arg9 : memref<!tpu.dma_semaphore, #tpu.memory_space<semaphore_mem>>)
    %dma_wait3A_59 = arith.constant 384 : i32
    %dma_wait3A_60 = arith.constant 0 : i32
    %dma_wait3A_61 = tpu.memref_slice %arg8[%dma_wait3A_59, %dma_wait3A_60] : memref<512x128xf32, #tpu.memory_space<vmem>> -> memref<128x128xf32, #tpu.memory_space<vmem>>
    %dma_wait3A_62 = arith.constant 0 : i32
    %dma_wait3A_63 = arith.constant 0 : i32
    %dma_wait3A_64 = tpu.memref_slice %arg2[%dma_wait3A_62, %dma_wait3A_63] : memref<47104x128xf32, #tpu.memory_space<hbm>> -> memref<47104x128xf32, #tpu.memory_space<hbm>>
    tpu.wait_indirect_dma semaphore(%arg9 : memref<!tpu.dma_semaphore, #tpu.memory_space<semaphore_mem>>) src(%dma_wait3A_64 : memref<47104x128xf32, #tpu.memory_space<hbm>>) dst(%dma_wait3A_61 : memref<128x128xf32, #tpu.memory_space<vmem>>)
    "tpu.region"() ({
      %run_scoped3A = tpu.sem_alloc : memref<!tpu.dma_semaphore, #tpu.memory_space<semaphore_mem>>
      %dma_start3A_129 = arith.constant 0 : i32
      %dma_start3A_130 = tpu.memref_slice %arg5[%mul3A_2, %dma_start3A_129] : memref<16384x128xf32, #tpu.memory_space<hbm>> -> memref<512x128xf32, #tpu.memory_space<hbm>>
      %dma_start3A_131 = arith.constant 0 : i32
      %dma_start3A_132 = tpu.memref_slice %arg5[%mul3A_2, %dma_start3A_131] : memref<16384x128xf32, #tpu.memory_space<hbm>> -> memref<512x128xf32, #tpu.memory_space<hbm>>
      tpu.enqueue_dma source(%arg8 : memref<512x128xf32, #tpu.memory_space<vmem>>) target(%dma_start3A_132 : memref<512x128xf32, #tpu.memory_space<hbm>>) target_semaphore(%run_scoped3A : memref<!tpu.dma_semaphore, #tpu.memory_space<semaphore_mem>>)
      %dma_wait3A_133 = arith.constant 0 : i32
      %dma_wait3A_134 = tpu.memref_slice %arg5[%mul3A_2, %dma_wait3A_133] : memref<16384x128xf32, #tpu.memory_space<hbm>> -> memref<512x128xf32, #tpu.memory_space<hbm>>
      %dma_wait3A_135 = arith.constant 0 : i32
      %dma_wait3A_136 = tpu.memref_slice %arg5[%mul3A_2, %dma_wait3A_135] : memref<16384x128xf32, #tpu.memory_space<hbm>> -> memref<512x128xf32, #tpu.memory_space<hbm>>
      tpu.wait_dma2 semaphore(%run_scoped3A : memref<!tpu.dma_semaphore, #tpu.memory_space<semaphore_mem>>) src(%arg8 : memref<512x128xf32, #tpu.memory_space<vmem>>) dst(%dma_wait3A_136 : memref<512x128xf32, #tpu.memory_space<hbm>>)
      tpu.yield
    }) : () -> ()
    %mul3A_65 = arith.constant 4 : i32
    %mul3A_66 = arith.muli %add3A, %mul3A_65 : i32
    %add3A_67 = arith.constant 0 : i32
    %add3A_68 = arith.addi %mul3A_66, %add3A_67 : i32
    "tpu.region"() ({
      %run_scoped3A = tpu.sem_alloc : memref<!tpu.dma_semaphore, #tpu.memory_space<semaphore_mem>>
      %dma_start3A_129 = arith.constant 0 : i32
      %dma_start3A_130 = tpu.memref_slice %arg4[%add3A_68, %dma_start3A_129] : memref<128x128xi32, #tpu.memory_space<hbm>> -> memref<1x128xi32, #tpu.memory_space<hbm>>
      %dma_start3A_131 = tpu.memref_squeeze %dma_start3A_130 : memref<1x128xi32, #tpu.memory_space<hbm>> -> memref<128xi32, #tpu.memory_space<hbm>>
      %dma_start3A_132 = arith.constant 0 : i32
      %dma_start3A_133 = tpu.memref_slice %arg4[%add3A_68, %dma_start3A_132] : memref<128x128xi32, #tpu.memory_space<hbm>> -> memref<1x128xi32, #tpu.memory_space<hbm>>
      %dma_start3A_134 = tpu.memref_squeeze %dma_start3A_133 : memref<1x128xi32, #tpu.memory_space<hbm>> -> memref<128xi32, #tpu.memory_space<hbm>>
      tpu.enqueue_dma source(%dma_start3A_134 : memref<128xi32, #tpu.memory_space<hbm>>) target(%arg7 : memref<128xi32, #tpu.memory_space<vmem>>) target_semaphore(%run_scoped3A : memref<!tpu.dma_semaphore, #tpu.memory_space<semaphore_mem>>)
      %dma_wait3A_135 = arith.constant 0 : i32
      %dma_wait3A_136 = tpu.memref_slice %arg4[%add3A_68, %dma_wait3A_135] : memref<128x128xi32, #tpu.memory_space<hbm>> -> memref<1x128xi32, #tpu.memory_space<hbm>>
      %dma_wait3A_137 = tpu.memref_squeeze %dma_wait3A_136 : memref<1x128xi32, #tpu.memory_space<hbm>> -> memref<128xi32, #tpu.memory_space<hbm>>
      %dma_wait3A_138 = arith.constant 0 : i32
      %dma_wait3A_139 = tpu.memref_slice %arg4[%add3A_68, %dma_wait3A_138] : memref<128x128xi32, #tpu.memory_space<hbm>> -> memref<1x128xi32, #tpu.memory_space<hbm>>
      %dma_wait3A_140 = tpu.memref_squeeze %dma_wait3A_139 : memref<1x128xi32, #tpu.memory_space<hbm>> -> memref<128xi32, #tpu.memory_space<hbm>>
      tpu.wait_dma2 semaphore(%run_scoped3A : memref<!tpu.dma_semaphore, #tpu.memory_space<semaphore_mem>>) src(%dma_wait3A_140 : memref<128xi32, #tpu.memory_space<hbm>>) dst(%arg7 : memref<128xi32, #tpu.memory_space<vmem>>)
      tpu.yield
    }) : () -> ()
    %dma_start3A_69 = arith.constant 0 : i32
    %dma_start3A_70 = arith.constant 0 : i32
    %dma_start3A_71 = tpu.memref_slice %arg8[%dma_start3A_69, %dma_start3A_70] : memref<512x128xf32, #tpu.memory_space<vmem>> -> memref<128x128xf32, #tpu.memory_space<vmem>>
    %dma_start3A_72 = arith.constant 0 : i32
    %dma_start3A_73 = arith.constant 0 : i32
    %dma_start3A_74 = tpu.memref_slice %arg2[%dma_start3A_72, %dma_start3A_73] : memref<47104x128xf32, #tpu.memory_space<hbm>> -> memref<47104x128xf32, #tpu.memory_space<hbm>>
    tpu.enqueue_indirect_dma source(%dma_start3A_74 : memref<47104x128xf32, #tpu.memory_space<hbm>>) target(%dma_start3A_71 : memref<128x128xf32, #tpu.memory_space<vmem>>) offsets(%arg7 : memref<128xi32, #tpu.memory_space<vmem>>) semaphore(%arg9 : memref<!tpu.dma_semaphore, #tpu.memory_space<semaphore_mem>>)
    %dma_wait3A_75 = arith.constant 0 : i32
    %dma_wait3A_76 = arith.constant 0 : i32
    %dma_wait3A_77 = tpu.memref_slice %arg8[%dma_wait3A_75, %dma_wait3A_76] : memref<512x128xf32, #tpu.memory_space<vmem>> -> memref<128x128xf32, #tpu.memory_space<vmem>>
    %dma_wait3A_78 = arith.constant 0 : i32
    %dma_wait3A_79 = arith.constant 0 : i32
    %dma_wait3A_80 = tpu.memref_slice %arg2[%dma_wait3A_78, %dma_wait3A_79] : memref<47104x128xf32, #tpu.memory_space<hbm>> -> memref<47104x128xf32, #tpu.memory_space<hbm>>
    tpu.wait_indirect_dma semaphore(%arg9 : memref<!tpu.dma_semaphore, #tpu.memory_space<semaphore_mem>>) src(%dma_wait3A_80 : memref<47104x128xf32, #tpu.memory_space<hbm>>) dst(%dma_wait3A_77 : memref<128x128xf32, #tpu.memory_space<vmem>>)
    %mul3A_81 = arith.constant 4 : i32
    %mul3A_82 = arith.muli %add3A, %mul3A_81 : i32
    %add3A_83 = arith.constant 1 : i32
    %add3A_84 = arith.addi %mul3A_82, %add3A_83 : i32
    "tpu.region"() ({
      %run_scoped3A = tpu.sem_alloc : memref<!tpu.dma_semaphore, #tpu.memory_space<semaphore_mem>>
      %dma_start3A_129 = arith.constant 0 : i32
      %dma_start3A_130 = tpu.memref_slice %arg4[%add3A_84, %dma_start3A_129] : memref<128x128xi32, #tpu.memory_space<hbm>> -> memref<1x128xi32, #tpu.memory_space<hbm>>
      %dma_start3A_131 = tpu.memref_squeeze %dma_start3A_130 : memref<1x128xi32, #tpu.memory_space<hbm>> -> memref<128xi32, #tpu.memory_space<hbm>>
      %dma_start3A_132 = arith.constant 0 : i32
      %dma_start3A_133 = tpu.memref_slice %arg4[%add3A_84, %dma_start3A_132] : memref<128x128xi32, #tpu.memory_space<hbm>> -> memref<1x128xi32, #tpu.memory_space<hbm>>
      %dma_start3A_134 = tpu.memref_squeeze %dma_start3A_133 : memref<1x128xi32, #tpu.memory_space<hbm>> -> memref<128xi32, #tpu.memory_space<hbm>>
      tpu.enqueue_dma source(%dma_start3A_134 : memref<128xi32, #tpu.memory_space<hbm>>) target(%arg7 : memref<128xi32, #tpu.memory_space<vmem>>) target_semaphore(%run_scoped3A : memref<!tpu.dma_semaphore, #tpu.memory_space<semaphore_mem>>)
      %dma_wait3A_135 = arith.constant 0 : i32
      %dma_wait3A_136 = tpu.memref_slice %arg4[%add3A_84, %dma_wait3A_135] : memref<128x128xi32, #tpu.memory_space<hbm>> -> memref<1x128xi32, #tpu.memory_space<hbm>>
      %dma_wait3A_137 = tpu.memref_squeeze %dma_wait3A_136 : memref<1x128xi32, #tpu.memory_space<hbm>> -> memref<128xi32, #tpu.memory_space<hbm>>
      %dma_wait3A_138 = arith.constant 0 : i32
      %dma_wait3A_139 = tpu.memref_slice %arg4[%add3A_84, %dma_wait3A_138] : memref<128x128xi32, #tpu.memory_space<hbm>> -> memref<1x128xi32, #tpu.memory_space<hbm>>
      %dma_wait3A_140 = tpu.memref_squeeze %dma_wait3A_139 : memref<1x128xi32, #tpu.memory_space<hbm>> -> memref<128xi32, #tpu.memory_space<hbm>>
      tpu.wait_dma2 semaphore(%run_scoped3A : memref<!tpu.dma_semaphore, #tpu.memory_space<semaphore_mem>>) src(%dma_wait3A_140 : memref<128xi32, #tpu.memory_space<hbm>>) dst(%arg7 : memref<128xi32, #tpu.memory_space<vmem>>)
      tpu.yield
    }) : () -> ()
    %dma_start3A_85 = arith.constant 128 : i32
    %dma_start3A_86 = arith.constant 0 : i32
    %dma_start3A_87 = tpu.memref_slice %arg8[%dma_start3A_85, %dma_start3A_86] : memref<512x128xf32, #tpu.memory_space<vmem>> -> memref<128x128xf32, #tpu.memory_space<vmem>>
    %dma_start3A_88 = arith.constant 0 : i32
    %dma_start3A_89 = arith.constant 0 : i32
    %dma_start3A_90 = tpu.memref_slice %arg2[%dma_start3A_88, %dma_start3A_89] : memref<47104x128xf32, #tpu.memory_space<hbm>> -> memref<47104x128xf32, #tpu.memory_space<hbm>>
    tpu.enqueue_indirect_dma source(%dma_start3A_90 : memref<47104x128xf32, #tpu.memory_space<hbm>>) target(%dma_start3A_87 : memref<128x128xf32, #tpu.memory_space<vmem>>) offsets(%arg7 : memref<128xi32, #tpu.memory_space<vmem>>) semaphore(%arg9 : memref<!tpu.dma_semaphore, #tpu.memory_space<semaphore_mem>>)
    %dma_wait3A_91 = arith.constant 128 : i32
    %dma_wait3A_92 = arith.constant 0 : i32
    %dma_wait3A_93 = tpu.memref_slice %arg8[%dma_wait3A_91, %dma_wait3A_92] : memref<512x128xf32, #tpu.memory_space<vmem>> -> memref<128x128xf32, #tpu.memory_space<vmem>>
    %dma_wait3A_94 = arith.constant 0 : i32
    %dma_wait3A_95 = arith.constant 0 : i32
    %dma_wait3A_96 = tpu.memref_slice %arg2[%dma_wait3A_94, %dma_wait3A_95] : memref<47104x128xf32, #tpu.memory_space<hbm>> -> memref<47104x128xf32, #tpu.memory_space<hbm>>
    tpu.wait_indirect_dma semaphore(%arg9 : memref<!tpu.dma_semaphore, #tpu.memory_space<semaphore_mem>>) src(%dma_wait3A_96 : memref<47104x128xf32, #tpu.memory_space<hbm>>) dst(%dma_wait3A_93 : memref<128x128xf32, #tpu.memory_space<vmem>>)
    %mul3A_97 = arith.constant 4 : i32
    %mul3A_98 = arith.muli %add3A, %mul3A_97 : i32
    %add3A_99 = arith.constant 2 : i32
    %add3A_100 = arith.addi %mul3A_98, %add3A_99 : i32
    "tpu.region"() ({
      %run_scoped3A = tpu.sem_alloc : memref<!tpu.dma_semaphore, #tpu.memory_space<semaphore_mem>>
      %dma_start3A_129 = arith.constant 0 : i32
      %dma_start3A_130 = tpu.memref_slice %arg4[%add3A_100, %dma_start3A_129] : memref<128x128xi32, #tpu.memory_space<hbm>> -> memref<1x128xi32, #tpu.memory_space<hbm>>
      %dma_start3A_131 = tpu.memref_squeeze %dma_start3A_130 : memref<1x128xi32, #tpu.memory_space<hbm>> -> memref<128xi32, #tpu.memory_space<hbm>>
      %dma_start3A_132 = arith.constant 0 : i32
      %dma_start3A_133 = tpu.memref_slice %arg4[%add3A_100, %dma_start3A_132] : memref<128x128xi32, #tpu.memory_space<hbm>> -> memref<1x128xi32, #tpu.memory_space<hbm>>
      %dma_start3A_134 = tpu.memref_squeeze %dma_start3A_133 : memref<1x128xi32, #tpu.memory_space<hbm>> -> memref<128xi32, #tpu.memory_space<hbm>>
      tpu.enqueue_dma source(%dma_start3A_134 : memref<128xi32, #tpu.memory_space<hbm>>) target(%arg7 : memref<128xi32, #tpu.memory_space<vmem>>) target_semaphore(%run_scoped3A : memref<!tpu.dma_semaphore, #tpu.memory_space<semaphore_mem>>)
      %dma_wait3A_135 = arith.constant 0 : i32
      %dma_wait3A_136 = tpu.memref_slice %arg4[%add3A_100, %dma_wait3A_135] : memref<128x128xi32, #tpu.memory_space<hbm>> -> memref<1x128xi32, #tpu.memory_space<hbm>>
      %dma_wait3A_137 = tpu.memref_squeeze %dma_wait3A_136 : memref<1x128xi32, #tpu.memory_space<hbm>> -> memref<128xi32, #tpu.memory_space<hbm>>
      %dma_wait3A_138 = arith.constant 0 : i32
      %dma_wait3A_139 = tpu.memref_slice %arg4[%add3A_100, %dma_wait3A_138] : memref<128x128xi32, #tpu.memory_space<hbm>> -> memref<1x128xi32, #tpu.memory_space<hbm>>
      %dma_wait3A_140 = tpu.memref_squeeze %dma_wait3A_139 : memref<1x128xi32, #tpu.memory_space<hbm>> -> memref<128xi32, #tpu.memory_space<hbm>>
      tpu.wait_dma2 semaphore(%run_scoped3A : memref<!tpu.dma_semaphore, #tpu.memory_space<semaphore_mem>>) src(%dma_wait3A_140 : memref<128xi32, #tpu.memory_space<hbm>>) dst(%arg7 : memref<128xi32, #tpu.memory_space<vmem>>)
      tpu.yield
    }) : () -> ()
    %dma_start3A_101 = arith.constant 256 : i32
    %dma_start3A_102 = arith.constant 0 : i32
    %dma_start3A_103 = tpu.memref_slice %arg8[%dma_start3A_101, %dma_start3A_102] : memref<512x128xf32, #tpu.memory_space<vmem>> -> memref<128x128xf32, #tpu.memory_space<vmem>>
    %dma_start3A_104 = arith.constant 0 : i32
    %dma_start3A_105 = arith.constant 0 : i32
    %dma_start3A_106 = tpu.memref_slice %arg2[%dma_start3A_104, %dma_start3A_105] : memref<47104x128xf32, #tpu.memory_space<hbm>> -> memref<47104x128xf32, #tpu.memory_space<hbm>>
    tpu.enqueue_indirect_dma source(%dma_start3A_106 : memref<47104x128xf32, #tpu.memory_space<hbm>>) target(%dma_start3A_103 : memref<128x128xf32, #tpu.memory_space<vmem>>) offsets(%arg7 : memref<128xi32, #tpu.memory_space<vmem>>) semaphore(%arg9 : memref<!tpu.dma_semaphore, #tpu.memory_space<semaphore_mem>>)
    %dma_wait3A_107 = arith.constant 256 : i32
    %dma_wait3A_108 = arith.constant 0 : i32
    %dma_wait3A_109 = tpu.memref_slice %arg8[%dma_wait3A_107, %dma_wait3A_108] : memref<512x128xf32, #tpu.memory_space<vmem>> -> memref<128x128xf32, #tpu.memory_space<vmem>>
    %dma_wait3A_110 = arith.constant 0 : i32
    %dma_wait3A_111 = arith.constant 0 : i32
    %dma_wait3A_112 = tpu.memref_slice %arg2[%dma_wait3A_110, %dma_wait3A_111] : memref<47104x128xf32, #tpu.memory_space<hbm>> -> memref<47104x128xf32, #tpu.memory_space<hbm>>
    tpu.wait_indirect_dma semaphore(%arg9 : memref<!tpu.dma_semaphore, #tpu.memory_space<semaphore_mem>>) src(%dma_wait3A_112 : memref<47104x128xf32, #tpu.memory_space<hbm>>) dst(%dma_wait3A_109 : memref<128x128xf32, #tpu.memory_space<vmem>>)
    %mul3A_113 = arith.constant 4 : i32
    %mul3A_114 = arith.muli %add3A, %mul3A_113 : i32
    %add3A_115 = arith.constant 3 : i32
    %add3A_116 = arith.addi %mul3A_114, %add3A_115 : i32
    "tpu.region"() ({
      %run_scoped3A = tpu.sem_alloc : memref<!tpu.dma_semaphore, #tpu.memory_space<semaphore_mem>>
      %dma_start3A_129 = arith.constant 0 : i32
      %dma_start3A_130 = tpu.memref_slice %arg4[%add3A_116, %dma_start3A_129] : memref<128x128xi32, #tpu.memory_space<hbm>> -> memref<1x128xi32, #tpu.memory_space<hbm>>
      %dma_start3A_131 = tpu.memref_squeeze %dma_start3A_130 : memref<1x128xi32, #tpu.memory_space<hbm>> -> memref<128xi32, #tpu.memory_space<hbm>>
      %dma_start3A_132 = arith.constant 0 : i32
      %dma_start3A_133 = tpu.memref_slice %arg4[%add3A_116, %dma_start3A_132] : memref<128x128xi32, #tpu.memory_space<hbm>> -> memref<1x128xi32, #tpu.memory_space<hbm>>
      %dma_start3A_134 = tpu.memref_squeeze %dma_start3A_133 : memref<1x128xi32, #tpu.memory_space<hbm>> -> memref<128xi32, #tpu.memory_space<hbm>>
      tpu.enqueue_dma source(%dma_start3A_134 : memref<128xi32, #tpu.memory_space<hbm>>) target(%arg7 : memref<128xi32, #tpu.memory_space<vmem>>) target_semaphore(%run_scoped3A : memref<!tpu.dma_semaphore, #tpu.memory_space<semaphore_mem>>)
      %dma_wait3A_135 = arith.constant 0 : i32
      %dma_wait3A_136 = tpu.memref_slice %arg4[%add3A_116, %dma_wait3A_135] : memref<128x128xi32, #tpu.memory_space<hbm>> -> memref<1x128xi32, #tpu.memory_space<hbm>>
      %dma_wait3A_137 = tpu.memref_squeeze %dma_wait3A_136 : memref<1x128xi32, #tpu.memory_space<hbm>> -> memref<128xi32, #tpu.memory_space<hbm>>
      %dma_wait3A_138 = arith.constant 0 : i32
      %dma_wait3A_139 = tpu.memref_slice %arg4[%add3A_116, %dma_wait3A_138] : memref<128x128xi32, #tpu.memory_space<hbm>> -> memref<1x128xi32, #tpu.memory_space<hbm>>
      %dma_wait3A_140 = tpu.memref_squeeze %dma_wait3A_139 : memref<1x128xi32, #tpu.memory_space<hbm>> -> memref<128xi32, #tpu.memory_space<hbm>>
      tpu.wait_dma2 semaphore(%run_scoped3A : memref<!tpu.dma_semaphore, #tpu.memory_space<semaphore_mem>>) src(%dma_wait3A_140 : memref<128xi32, #tpu.memory_space<hbm>>) dst(%arg7 : memref<128xi32, #tpu.memory_space<vmem>>)
      tpu.yield
    }) : () -> ()
    %dma_start3A_117 = arith.constant 384 : i32
    %dma_start3A_118 = arith.constant 0 : i32
    %dma_start3A_119 = tpu.memref_slice %arg8[%dma_start3A_117, %dma_start3A_118] : memref<512x128xf32, #tpu.memory_space<vmem>> -> memref<128x128xf32, #tpu.memory_space<vmem>>
    %dma_start3A_120 = arith.constant 0 : i32
    %dma_start3A_121 = arith.constant 0 : i32
    %dma_start3A_122 = tpu.memref_slice %arg2[%dma_start3A_120, %dma_start3A_121] : memref<47104x128xf32, #tpu.memory_space<hbm>> -> memref<47104x128xf32, #tpu.memory_space<hbm>>
    tpu.enqueue_indirect_dma source(%dma_start3A_122 : memref<47104x128xf32, #tpu.memory_space<hbm>>) target(%dma_start3A_119 : memref<128x128xf32, #tpu.memory_space<vmem>>) offsets(%arg7 : memref<128xi32, #tpu.memory_space<vmem>>) semaphore(%arg9 : memref<!tpu.dma_semaphore, #tpu.memory_space<semaphore_mem>>)
    %dma_wait3A_123 = arith.constant 384 : i32
    %dma_wait3A_124 = arith.constant 0 : i32
    %dma_wait3A_125 = tpu.memref_slice %arg8[%dma_wait3A_123, %dma_wait3A_124] : memref<512x128xf32, #tpu.memory_space<vmem>> -> memref<128x128xf32, #tpu.memory_space<vmem>>
    %dma_wait3A_126 = arith.constant 0 : i32
    %dma_wait3A_127 = arith.constant 0 : i32
    %dma_wait3A_128 = tpu.memref_slice %arg2[%dma_wait3A_126, %dma_wait3A_127] : memref<47104x128xf32, #tpu.memory_space<hbm>> -> memref<47104x128xf32, #tpu.memory_space<hbm>>
    tpu.wait_indirect_dma semaphore(%arg9 : memref<!tpu.dma_semaphore, #tpu.memory_space<semaphore_mem>>) src(%dma_wait3A_128 : memref<47104x128xf32, #tpu.memory_space<hbm>>) dst(%dma_wait3A_125 : memref<128x128xf32, #tpu.memory_space<vmem>>)
    "tpu.region"() ({
      %run_scoped3A = tpu.sem_alloc : memref<!tpu.dma_semaphore, #tpu.memory_space<semaphore_mem>>
      %dma_start3A_129 = arith.constant 0 : i32
      %dma_start3A_130 = tpu.memref_slice %arg6[%mul3A_2, %dma_start3A_129] : memref<16384x128xf32, #tpu.memory_space<hbm>> -> memref<512x128xf32, #tpu.memory_space<hbm>>
      %dma_start3A_131 = arith.constant 0 : i32
      %dma_start3A_132 = tpu.memref_slice %arg6[%mul3A_2, %dma_start3A_131] : memref<16384x128xf32, #tpu.memory_space<hbm>> -> memref<512x128xf32, #tpu.memory_space<hbm>>
      tpu.enqueue_dma source(%arg8 : memref<512x128xf32, #tpu.memory_space<vmem>>) target(%dma_start3A_132 : memref<512x128xf32, #tpu.memory_space<hbm>>) target_semaphore(%run_scoped3A : memref<!tpu.dma_semaphore, #tpu.memory_space<semaphore_mem>>)
      %dma_wait3A_133 = arith.constant 0 : i32
      %dma_wait3A_134 = tpu.memref_slice %arg6[%mul3A_2, %dma_wait3A_133] : memref<16384x128xf32, #tpu.memory_space<hbm>> -> memref<512x128xf32, #tpu.memory_space<hbm>>
      %dma_wait3A_135 = arith.constant 0 : i32
      %dma_wait3A_136 = tpu.memref_slice %arg6[%mul3A_2, %dma_wait3A_135] : memref<16384x128xf32, #tpu.memory_space<hbm>> -> memref<512x128xf32, #tpu.memory_space<hbm>>
      tpu.wait_dma2 semaphore(%run_scoped3A : memref<!tpu.dma_semaphore, #tpu.memory_space<semaphore_mem>>) src(%arg8 : memref<512x128xf32, #tpu.memory_space<vmem>>) dst(%dma_wait3A_136 : memref<512x128xf32, #tpu.memory_space<hbm>>)
      tpu.yield
    }) : () -> ()
    return
  }
}

#map = affine_map<(d0, d1) -> (0, 0)>
module attributes {stable_mosaic.version = 14 : i64} {
  func.func @_b_body(%arg0: i32, %arg1: i32, %arg2: memref<16384x128xf32, #tpu.memory_space<hbm>>, %arg3: memref<128x128xi32, #tpu.memory_space<hbm>>, %arg4: memref<128x128xi32, #tpu.memory_space<hbm>>, %arg5: memref<47104x128xf32, #tpu.memory_space<hbm>>, %arg6: memref<128xi32, #tpu.memory_space<vmem>>, %arg7: memref<512x128xf32, #tpu.memory_space<vmem>>, %arg8: memref<!tpu.dma_semaphore, #tpu.memory_space<semaphore_mem>>) attributes {dimension_semantics = [#tpu.dimension_semantics<core_parallel>, #tpu.dimension_semantics<subcore_parallel>], iteration_bounds = array<i64: 2, 16>, scalar_prefetch = 0 : i64, scratch_operands = 3 : i64, tpu.core_type = #tpu.core_type<sc_vector_subcore>, window_params = [{transform_indices = #map}, {transform_indices = #map}, {transform_indices = #map}, {transform_indices = #map}]} {
    %mul3A = arith.constant 2 : i32
    %mul3A_0 = arith.muli %arg1, %mul3A : i32
    %add3A = arith.addi %mul3A_0, %arg0 : i32
    %mul3A_1 = arith.constant 512 : i32
    %mul3A_2 = arith.muli %add3A, %mul3A_1 : i32
    "tpu.region"() ({
      %run_scoped3A = tpu.sem_alloc : memref<!tpu.dma_semaphore, #tpu.memory_space<semaphore_mem>>
      %dma_start3A_129 = arith.constant 0 : i32
      %dma_start3A_130 = tpu.memref_slice %arg2[%mul3A_2, %dma_start3A_129] : memref<16384x128xf32, #tpu.memory_space<hbm>> -> memref<512x128xf32, #tpu.memory_space<hbm>>
      %dma_start3A_131 = arith.constant 0 : i32
      %dma_start3A_132 = tpu.memref_slice %arg2[%mul3A_2, %dma_start3A_131] : memref<16384x128xf32, #tpu.memory_space<hbm>> -> memref<512x128xf32, #tpu.memory_space<hbm>>
      tpu.enqueue_dma source(%dma_start3A_132 : memref<512x128xf32, #tpu.memory_space<hbm>>) target(%arg7 : memref<512x128xf32, #tpu.memory_space<vmem>>) target_semaphore(%run_scoped3A : memref<!tpu.dma_semaphore, #tpu.memory_space<semaphore_mem>>)
      %dma_wait3A_133 = arith.constant 0 : i32
      %dma_wait3A_134 = tpu.memref_slice %arg2[%mul3A_2, %dma_wait3A_133] : memref<16384x128xf32, #tpu.memory_space<hbm>> -> memref<512x128xf32, #tpu.memory_space<hbm>>
      %dma_wait3A_135 = arith.constant 0 : i32
      %dma_wait3A_136 = tpu.memref_slice %arg2[%mul3A_2, %dma_wait3A_135] : memref<16384x128xf32, #tpu.memory_space<hbm>> -> memref<512x128xf32, #tpu.memory_space<hbm>>
      tpu.wait_dma2 semaphore(%run_scoped3A : memref<!tpu.dma_semaphore, #tpu.memory_space<semaphore_mem>>) src(%dma_wait3A_136 : memref<512x128xf32, #tpu.memory_space<hbm>>) dst(%arg7 : memref<512x128xf32, #tpu.memory_space<vmem>>)
      tpu.yield
    }) : () -> ()
    %mul3A_3 = arith.constant 4 : i32
    %mul3A_4 = arith.muli %add3A, %mul3A_3 : i32
    %add3A_5 = arith.constant 0 : i32
    %add3A_6 = arith.addi %mul3A_4, %add3A_5 : i32
    "tpu.region"() ({
      %run_scoped3A = tpu.sem_alloc : memref<!tpu.dma_semaphore, #tpu.memory_space<semaphore_mem>>
      %dma_start3A_129 = arith.constant 0 : i32
      %dma_start3A_130 = tpu.memref_slice %arg3[%add3A_6, %dma_start3A_129] : memref<128x128xi32, #tpu.memory_space<hbm>> -> memref<1x128xi32, #tpu.memory_space<hbm>>
      %dma_start3A_131 = tpu.memref_squeeze %dma_start3A_130 : memref<1x128xi32, #tpu.memory_space<hbm>> -> memref<128xi32, #tpu.memory_space<hbm>>
      %dma_start3A_132 = arith.constant 0 : i32
      %dma_start3A_133 = tpu.memref_slice %arg3[%add3A_6, %dma_start3A_132] : memref<128x128xi32, #tpu.memory_space<hbm>> -> memref<1x128xi32, #tpu.memory_space<hbm>>
      %dma_start3A_134 = tpu.memref_squeeze %dma_start3A_133 : memref<1x128xi32, #tpu.memory_space<hbm>> -> memref<128xi32, #tpu.memory_space<hbm>>
      tpu.enqueue_dma source(%dma_start3A_134 : memref<128xi32, #tpu.memory_space<hbm>>) target(%arg6 : memref<128xi32, #tpu.memory_space<vmem>>) target_semaphore(%run_scoped3A : memref<!tpu.dma_semaphore, #tpu.memory_space<semaphore_mem>>)
      %dma_wait3A_135 = arith.constant 0 : i32
      %dma_wait3A_136 = tpu.memref_slice %arg3[%add3A_6, %dma_wait3A_135] : memref<128x128xi32, #tpu.memory_space<hbm>> -> memref<1x128xi32, #tpu.memory_space<hbm>>
      %dma_wait3A_137 = tpu.memref_squeeze %dma_wait3A_136 : memref<1x128xi32, #tpu.memory_space<hbm>> -> memref<128xi32, #tpu.memory_space<hbm>>
      %dma_wait3A_138 = arith.constant 0 : i32
      %dma_wait3A_139 = tpu.memref_slice %arg3[%add3A_6, %dma_wait3A_138] : memref<128x128xi32, #tpu.memory_space<hbm>> -> memref<1x128xi32, #tpu.memory_space<hbm>>
      %dma_wait3A_140 = tpu.memref_squeeze %dma_wait3A_139 : memref<1x128xi32, #tpu.memory_space<hbm>> -> memref<128xi32, #tpu.memory_space<hbm>>
      tpu.wait_dma2 semaphore(%run_scoped3A : memref<!tpu.dma_semaphore, #tpu.memory_space<semaphore_mem>>) src(%dma_wait3A_140 : memref<128xi32, #tpu.memory_space<hbm>>) dst(%arg6 : memref<128xi32, #tpu.memory_space<vmem>>)
      tpu.yield
    }) : () -> ()
    %dma_start3A = arith.constant 0 : i32
    %dma_start3A_7 = arith.constant 0 : i32
    %dma_start3A_8 = tpu.memref_slice %arg7[%dma_start3A, %dma_start3A_7] : memref<512x128xf32, #tpu.memory_space<vmem>> -> memref<128x128xf32, #tpu.memory_space<vmem>>
    %dma_start3A_9 = arith.constant 0 : i32
    %dma_start3A_10 = arith.constant 0 : i32
    %dma_start3A_11 = tpu.memref_slice %arg5[%dma_start3A_9, %dma_start3A_10] : memref<47104x128xf32, #tpu.memory_space<hbm>> -> memref<47104x128xf32, #tpu.memory_space<hbm>>
    tpu.enqueue_indirect_dma source(%dma_start3A_8 : memref<128x128xf32, #tpu.memory_space<vmem>>) target(%dma_start3A_11 : memref<47104x128xf32, #tpu.memory_space<hbm>>) offsets(%arg6 : memref<128xi32, #tpu.memory_space<vmem>>) semaphore(%arg8 : memref<!tpu.dma_semaphore, #tpu.memory_space<semaphore_mem>>)
    %dma_wait3A = arith.constant 0 : i32
    %dma_wait3A_12 = arith.constant 0 : i32
    %dma_wait3A_13 = tpu.memref_slice %arg7[%dma_wait3A, %dma_wait3A_12] : memref<512x128xf32, #tpu.memory_space<vmem>> -> memref<128x128xf32, #tpu.memory_space<vmem>>
    %dma_wait3A_14 = arith.constant 0 : i32
    %dma_wait3A_15 = arith.constant 0 : i32
    %dma_wait3A_16 = tpu.memref_slice %arg5[%dma_wait3A_14, %dma_wait3A_15] : memref<47104x128xf32, #tpu.memory_space<hbm>> -> memref<47104x128xf32, #tpu.memory_space<hbm>>
    tpu.wait_indirect_dma semaphore(%arg8 : memref<!tpu.dma_semaphore, #tpu.memory_space<semaphore_mem>>) src(%dma_wait3A_13 : memref<128x128xf32, #tpu.memory_space<vmem>>) dst(%dma_wait3A_16 : memref<47104x128xf32, #tpu.memory_space<hbm>>)
    %mul3A_17 = arith.constant 4 : i32
    %mul3A_18 = arith.muli %add3A, %mul3A_17 : i32
    %add3A_19 = arith.constant 1 : i32
    %add3A_20 = arith.addi %mul3A_18, %add3A_19 : i32
    "tpu.region"() ({
      %run_scoped3A = tpu.sem_alloc : memref<!tpu.dma_semaphore, #tpu.memory_space<semaphore_mem>>
      %dma_start3A_129 = arith.constant 0 : i32
      %dma_start3A_130 = tpu.memref_slice %arg3[%add3A_20, %dma_start3A_129] : memref<128x128xi32, #tpu.memory_space<hbm>> -> memref<1x128xi32, #tpu.memory_space<hbm>>
      %dma_start3A_131 = tpu.memref_squeeze %dma_start3A_130 : memref<1x128xi32, #tpu.memory_space<hbm>> -> memref<128xi32, #tpu.memory_space<hbm>>
      %dma_start3A_132 = arith.constant 0 : i32
      %dma_start3A_133 = tpu.memref_slice %arg3[%add3A_20, %dma_start3A_132] : memref<128x128xi32, #tpu.memory_space<hbm>> -> memref<1x128xi32, #tpu.memory_space<hbm>>
      %dma_start3A_134 = tpu.memref_squeeze %dma_start3A_133 : memref<1x128xi32, #tpu.memory_space<hbm>> -> memref<128xi32, #tpu.memory_space<hbm>>
      tpu.enqueue_dma source(%dma_start3A_134 : memref<128xi32, #tpu.memory_space<hbm>>) target(%arg6 : memref<128xi32, #tpu.memory_space<vmem>>) target_semaphore(%run_scoped3A : memref<!tpu.dma_semaphore, #tpu.memory_space<semaphore_mem>>)
      %dma_wait3A_135 = arith.constant 0 : i32
      %dma_wait3A_136 = tpu.memref_slice %arg3[%add3A_20, %dma_wait3A_135] : memref<128x128xi32, #tpu.memory_space<hbm>> -> memref<1x128xi32, #tpu.memory_space<hbm>>
      %dma_wait3A_137 = tpu.memref_squeeze %dma_wait3A_136 : memref<1x128xi32, #tpu.memory_space<hbm>> -> memref<128xi32, #tpu.memory_space<hbm>>
      %dma_wait3A_138 = arith.constant 0 : i32
      %dma_wait3A_139 = tpu.memref_slice %arg3[%add3A_20, %dma_wait3A_138] : memref<128x128xi32, #tpu.memory_space<hbm>> -> memref<1x128xi32, #tpu.memory_space<hbm>>
      %dma_wait3A_140 = tpu.memref_squeeze %dma_wait3A_139 : memref<1x128xi32, #tpu.memory_space<hbm>> -> memref<128xi32, #tpu.memory_space<hbm>>
      tpu.wait_dma2 semaphore(%run_scoped3A : memref<!tpu.dma_semaphore, #tpu.memory_space<semaphore_mem>>) src(%dma_wait3A_140 : memref<128xi32, #tpu.memory_space<hbm>>) dst(%arg6 : memref<128xi32, #tpu.memory_space<vmem>>)
      tpu.yield
    }) : () -> ()
    %dma_start3A_21 = arith.constant 128 : i32
    %dma_start3A_22 = arith.constant 0 : i32
    %dma_start3A_23 = tpu.memref_slice %arg7[%dma_start3A_21, %dma_start3A_22] : memref<512x128xf32, #tpu.memory_space<vmem>> -> memref<128x128xf32, #tpu.memory_space<vmem>>
    %dma_start3A_24 = arith.constant 0 : i32
    %dma_start3A_25 = arith.constant 0 : i32
    %dma_start3A_26 = tpu.memref_slice %arg5[%dma_start3A_24, %dma_start3A_25] : memref<47104x128xf32, #tpu.memory_space<hbm>> -> memref<47104x128xf32, #tpu.memory_space<hbm>>
    tpu.enqueue_indirect_dma source(%dma_start3A_23 : memref<128x128xf32, #tpu.memory_space<vmem>>) target(%dma_start3A_26 : memref<47104x128xf32, #tpu.memory_space<hbm>>) offsets(%arg6 : memref<128xi32, #tpu.memory_space<vmem>>) semaphore(%arg8 : memref<!tpu.dma_semaphore, #tpu.memory_space<semaphore_mem>>)
    %dma_wait3A_27 = arith.constant 128 : i32
    %dma_wait3A_28 = arith.constant 0 : i32
    %dma_wait3A_29 = tpu.memref_slice %arg7[%dma_wait3A_27, %dma_wait3A_28] : memref<512x128xf32, #tpu.memory_space<vmem>> -> memref<128x128xf32, #tpu.memory_space<vmem>>
    %dma_wait3A_30 = arith.constant 0 : i32
    %dma_wait3A_31 = arith.constant 0 : i32
    %dma_wait3A_32 = tpu.memref_slice %arg5[%dma_wait3A_30, %dma_wait3A_31] : memref<47104x128xf32, #tpu.memory_space<hbm>> -> memref<47104x128xf32, #tpu.memory_space<hbm>>
    tpu.wait_indirect_dma semaphore(%arg8 : memref<!tpu.dma_semaphore, #tpu.memory_space<semaphore_mem>>) src(%dma_wait3A_29 : memref<128x128xf32, #tpu.memory_space<vmem>>) dst(%dma_wait3A_32 : memref<47104x128xf32, #tpu.memory_space<hbm>>)
    %mul3A_33 = arith.constant 4 : i32
    %mul3A_34 = arith.muli %add3A, %mul3A_33 : i32
    %add3A_35 = arith.constant 2 : i32
    %add3A_36 = arith.addi %mul3A_34, %add3A_35 : i32
    "tpu.region"() ({
      %run_scoped3A = tpu.sem_alloc : memref<!tpu.dma_semaphore, #tpu.memory_space<semaphore_mem>>
      %dma_start3A_129 = arith.constant 0 : i32
      %dma_start3A_130 = tpu.memref_slice %arg3[%add3A_36, %dma_start3A_129] : memref<128x128xi32, #tpu.memory_space<hbm>> -> memref<1x128xi32, #tpu.memory_space<hbm>>
      %dma_start3A_131 = tpu.memref_squeeze %dma_start3A_130 : memref<1x128xi32, #tpu.memory_space<hbm>> -> memref<128xi32, #tpu.memory_space<hbm>>
      %dma_start3A_132 = arith.constant 0 : i32
      %dma_start3A_133 = tpu.memref_slice %arg3[%add3A_36, %dma_start3A_132] : memref<128x128xi32, #tpu.memory_space<hbm>> -> memref<1x128xi32, #tpu.memory_space<hbm>>
      %dma_start3A_134 = tpu.memref_squeeze %dma_start3A_133 : memref<1x128xi32, #tpu.memory_space<hbm>> -> memref<128xi32, #tpu.memory_space<hbm>>
      tpu.enqueue_dma source(%dma_start3A_134 : memref<128xi32, #tpu.memory_space<hbm>>) target(%arg6 : memref<128xi32, #tpu.memory_space<vmem>>) target_semaphore(%run_scoped3A : memref<!tpu.dma_semaphore, #tpu.memory_space<semaphore_mem>>)
      %dma_wait3A_135 = arith.constant 0 : i32
      %dma_wait3A_136 = tpu.memref_slice %arg3[%add3A_36, %dma_wait3A_135] : memref<128x128xi32, #tpu.memory_space<hbm>> -> memref<1x128xi32, #tpu.memory_space<hbm>>
      %dma_wait3A_137 = tpu.memref_squeeze %dma_wait3A_136 : memref<1x128xi32, #tpu.memory_space<hbm>> -> memref<128xi32, #tpu.memory_space<hbm>>
      %dma_wait3A_138 = arith.constant 0 : i32
      %dma_wait3A_139 = tpu.memref_slice %arg3[%add3A_36, %dma_wait3A_138] : memref<128x128xi32, #tpu.memory_space<hbm>> -> memref<1x128xi32, #tpu.memory_space<hbm>>
      %dma_wait3A_140 = tpu.memref_squeeze %dma_wait3A_139 : memref<1x128xi32, #tpu.memory_space<hbm>> -> memref<128xi32, #tpu.memory_space<hbm>>
      tpu.wait_dma2 semaphore(%run_scoped3A : memref<!tpu.dma_semaphore, #tpu.memory_space<semaphore_mem>>) src(%dma_wait3A_140 : memref<128xi32, #tpu.memory_space<hbm>>) dst(%arg6 : memref<128xi32, #tpu.memory_space<vmem>>)
      tpu.yield
    }) : () -> ()
    %dma_start3A_37 = arith.constant 256 : i32
    %dma_start3A_38 = arith.constant 0 : i32
    %dma_start3A_39 = tpu.memref_slice %arg7[%dma_start3A_37, %dma_start3A_38] : memref<512x128xf32, #tpu.memory_space<vmem>> -> memref<128x128xf32, #tpu.memory_space<vmem>>
    %dma_start3A_40 = arith.constant 0 : i32
    %dma_start3A_41 = arith.constant 0 : i32
    %dma_start3A_42 = tpu.memref_slice %arg5[%dma_start3A_40, %dma_start3A_41] : memref<47104x128xf32, #tpu.memory_space<hbm>> -> memref<47104x128xf32, #tpu.memory_space<hbm>>
    tpu.enqueue_indirect_dma source(%dma_start3A_39 : memref<128x128xf32, #tpu.memory_space<vmem>>) target(%dma_start3A_42 : memref<47104x128xf32, #tpu.memory_space<hbm>>) offsets(%arg6 : memref<128xi32, #tpu.memory_space<vmem>>) semaphore(%arg8 : memref<!tpu.dma_semaphore, #tpu.memory_space<semaphore_mem>>)
    %dma_wait3A_43 = arith.constant 256 : i32
    %dma_wait3A_44 = arith.constant 0 : i32
    %dma_wait3A_45 = tpu.memref_slice %arg7[%dma_wait3A_43, %dma_wait3A_44] : memref<512x128xf32, #tpu.memory_space<vmem>> -> memref<128x128xf32, #tpu.memory_space<vmem>>
    %dma_wait3A_46 = arith.constant 0 : i32
    %dma_wait3A_47 = arith.constant 0 : i32
    %dma_wait3A_48 = tpu.memref_slice %arg5[%dma_wait3A_46, %dma_wait3A_47] : memref<47104x128xf32, #tpu.memory_space<hbm>> -> memref<47104x128xf32, #tpu.memory_space<hbm>>
    tpu.wait_indirect_dma semaphore(%arg8 : memref<!tpu.dma_semaphore, #tpu.memory_space<semaphore_mem>>) src(%dma_wait3A_45 : memref<128x128xf32, #tpu.memory_space<vmem>>) dst(%dma_wait3A_48 : memref<47104x128xf32, #tpu.memory_space<hbm>>)
    %mul3A_49 = arith.constant 4 : i32
    %mul3A_50 = arith.muli %add3A, %mul3A_49 : i32
    %add3A_51 = arith.constant 3 : i32
    %add3A_52 = arith.addi %mul3A_50, %add3A_51 : i32
    "tpu.region"() ({
      %run_scoped3A = tpu.sem_alloc : memref<!tpu.dma_semaphore, #tpu.memory_space<semaphore_mem>>
      %dma_start3A_129 = arith.constant 0 : i32
      %dma_start3A_130 = tpu.memref_slice %arg3[%add3A_52, %dma_start3A_129] : memref<128x128xi32, #tpu.memory_space<hbm>> -> memref<1x128xi32, #tpu.memory_space<hbm>>
      %dma_start3A_131 = tpu.memref_squeeze %dma_start3A_130 : memref<1x128xi32, #tpu.memory_space<hbm>> -> memref<128xi32, #tpu.memory_space<hbm>>
      %dma_start3A_132 = arith.constant 0 : i32
      %dma_start3A_133 = tpu.memref_slice %arg3[%add3A_52, %dma_start3A_132] : memref<128x128xi32, #tpu.memory_space<hbm>> -> memref<1x128xi32, #tpu.memory_space<hbm>>
      %dma_start3A_134 = tpu.memref_squeeze %dma_start3A_133 : memref<1x128xi32, #tpu.memory_space<hbm>> -> memref<128xi32, #tpu.memory_space<hbm>>
      tpu.enqueue_dma source(%dma_start3A_134 : memref<128xi32, #tpu.memory_space<hbm>>) target(%arg6 : memref<128xi32, #tpu.memory_space<vmem>>) target_semaphore(%run_scoped3A : memref<!tpu.dma_semaphore, #tpu.memory_space<semaphore_mem>>)
      %dma_wait3A_135 = arith.constant 0 : i32
      %dma_wait3A_136 = tpu.memref_slice %arg3[%add3A_52, %dma_wait3A_135] : memref<128x128xi32, #tpu.memory_space<hbm>> -> memref<1x128xi32, #tpu.memory_space<hbm>>
      %dma_wait3A_137 = tpu.memref_squeeze %dma_wait3A_136 : memref<1x128xi32, #tpu.memory_space<hbm>> -> memref<128xi32, #tpu.memory_space<hbm>>
      %dma_wait3A_138 = arith.constant 0 : i32
      %dma_wait3A_139 = tpu.memref_slice %arg3[%add3A_52, %dma_wait3A_138] : memref<128x128xi32, #tpu.memory_space<hbm>> -> memref<1x128xi32, #tpu.memory_space<hbm>>
      %dma_wait3A_140 = tpu.memref_squeeze %dma_wait3A_139 : memref<1x128xi32, #tpu.memory_space<hbm>> -> memref<128xi32, #tpu.memory_space<hbm>>
      tpu.wait_dma2 semaphore(%run_scoped3A : memref<!tpu.dma_semaphore, #tpu.memory_space<semaphore_mem>>) src(%dma_wait3A_140 : memref<128xi32, #tpu.memory_space<hbm>>) dst(%arg6 : memref<128xi32, #tpu.memory_space<vmem>>)
      tpu.yield
    }) : () -> ()
    %dma_start3A_53 = arith.constant 384 : i32
    %dma_start3A_54 = arith.constant 0 : i32
    %dma_start3A_55 = tpu.memref_slice %arg7[%dma_start3A_53, %dma_start3A_54] : memref<512x128xf32, #tpu.memory_space<vmem>> -> memref<128x128xf32, #tpu.memory_space<vmem>>
    %dma_start3A_56 = arith.constant 0 : i32
    %dma_start3A_57 = arith.constant 0 : i32
    %dma_start3A_58 = tpu.memref_slice %arg5[%dma_start3A_56, %dma_start3A_57] : memref<47104x128xf32, #tpu.memory_space<hbm>> -> memref<47104x128xf32, #tpu.memory_space<hbm>>
    tpu.enqueue_indirect_dma source(%dma_start3A_55 : memref<128x128xf32, #tpu.memory_space<vmem>>) target(%dma_start3A_58 : memref<47104x128xf32, #tpu.memory_space<hbm>>) offsets(%arg6 : memref<128xi32, #tpu.memory_space<vmem>>) semaphore(%arg8 : memref<!tpu.dma_semaphore, #tpu.memory_space<semaphore_mem>>)
    %dma_wait3A_59 = arith.constant 384 : i32
    %dma_wait3A_60 = arith.constant 0 : i32
    %dma_wait3A_61 = tpu.memref_slice %arg7[%dma_wait3A_59, %dma_wait3A_60] : memref<512x128xf32, #tpu.memory_space<vmem>> -> memref<128x128xf32, #tpu.memory_space<vmem>>
    %dma_wait3A_62 = arith.constant 0 : i32
    %dma_wait3A_63 = arith.constant 0 : i32
    %dma_wait3A_64 = tpu.memref_slice %arg5[%dma_wait3A_62, %dma_wait3A_63] : memref<47104x128xf32, #tpu.memory_space<hbm>> -> memref<47104x128xf32, #tpu.memory_space<hbm>>
    tpu.wait_indirect_dma semaphore(%arg8 : memref<!tpu.dma_semaphore, #tpu.memory_space<semaphore_mem>>) src(%dma_wait3A_61 : memref<128x128xf32, #tpu.memory_space<vmem>>) dst(%dma_wait3A_64 : memref<47104x128xf32, #tpu.memory_space<hbm>>)
    %mul3A_65 = arith.constant 4 : i32
    %mul3A_66 = arith.muli %add3A, %mul3A_65 : i32
    %add3A_67 = arith.constant 0 : i32
    %add3A_68 = arith.addi %mul3A_66, %add3A_67 : i32
    "tpu.region"() ({
      %run_scoped3A = tpu.sem_alloc : memref<!tpu.dma_semaphore, #tpu.memory_space<semaphore_mem>>
      %dma_start3A_129 = arith.constant 0 : i32
      %dma_start3A_130 = tpu.memref_slice %arg4[%add3A_68, %dma_start3A_129] : memref<128x128xi32, #tpu.memory_space<hbm>> -> memref<1x128xi32, #tpu.memory_space<hbm>>
      %dma_start3A_131 = tpu.memref_squeeze %dma_start3A_130 : memref<1x128xi32, #tpu.memory_space<hbm>> -> memref<128xi32, #tpu.memory_space<hbm>>
      %dma_start3A_132 = arith.constant 0 : i32
      %dma_start3A_133 = tpu.memref_slice %arg4[%add3A_68, %dma_start3A_132] : memref<128x128xi32, #tpu.memory_space<hbm>> -> memref<1x128xi32, #tpu.memory_space<hbm>>
      %dma_start3A_134 = tpu.memref_squeeze %dma_start3A_133 : memref<1x128xi32, #tpu.memory_space<hbm>> -> memref<128xi32, #tpu.memory_space<hbm>>
      tpu.enqueue_dma source(%dma_start3A_134 : memref<128xi32, #tpu.memory_space<hbm>>) target(%arg6 : memref<128xi32, #tpu.memory_space<vmem>>) target_semaphore(%run_scoped3A : memref<!tpu.dma_semaphore, #tpu.memory_space<semaphore_mem>>)
      %dma_wait3A_135 = arith.constant 0 : i32
      %dma_wait3A_136 = tpu.memref_slice %arg4[%add3A_68, %dma_wait3A_135] : memref<128x128xi32, #tpu.memory_space<hbm>> -> memref<1x128xi32, #tpu.memory_space<hbm>>
      %dma_wait3A_137 = tpu.memref_squeeze %dma_wait3A_136 : memref<1x128xi32, #tpu.memory_space<hbm>> -> memref<128xi32, #tpu.memory_space<hbm>>
      %dma_wait3A_138 = arith.constant 0 : i32
      %dma_wait3A_139 = tpu.memref_slice %arg4[%add3A_68, %dma_wait3A_138] : memref<128x128xi32, #tpu.memory_space<hbm>> -> memref<1x128xi32, #tpu.memory_space<hbm>>
      %dma_wait3A_140 = tpu.memref_squeeze %dma_wait3A_139 : memref<1x128xi32, #tpu.memory_space<hbm>> -> memref<128xi32, #tpu.memory_space<hbm>>
      tpu.wait_dma2 semaphore(%run_scoped3A : memref<!tpu.dma_semaphore, #tpu.memory_space<semaphore_mem>>) src(%dma_wait3A_140 : memref<128xi32, #tpu.memory_space<hbm>>) dst(%arg6 : memref<128xi32, #tpu.memory_space<vmem>>)
      tpu.yield
    }) : () -> ()
    %dma_start3A_69 = arith.constant 0 : i32
    %dma_start3A_70 = arith.constant 0 : i32
    %dma_start3A_71 = tpu.memref_slice %arg7[%dma_start3A_69, %dma_start3A_70] : memref<512x128xf32, #tpu.memory_space<vmem>> -> memref<128x128xf32, #tpu.memory_space<vmem>>
    %dma_start3A_72 = arith.constant 0 : i32
    %dma_start3A_73 = arith.constant 0 : i32
    %dma_start3A_74 = tpu.memref_slice %arg5[%dma_start3A_72, %dma_start3A_73] : memref<47104x128xf32, #tpu.memory_space<hbm>> -> memref<47104x128xf32, #tpu.memory_space<hbm>>
    tpu.enqueue_indirect_dma source(%dma_start3A_71 : memref<128x128xf32, #tpu.memory_space<vmem>>) target(%dma_start3A_74 : memref<47104x128xf32, #tpu.memory_space<hbm>>) offsets(%arg6 : memref<128xi32, #tpu.memory_space<vmem>>) semaphore(%arg8 : memref<!tpu.dma_semaphore, #tpu.memory_space<semaphore_mem>>)
    %dma_wait3A_75 = arith.constant 0 : i32
    %dma_wait3A_76 = arith.constant 0 : i32
    %dma_wait3A_77 = tpu.memref_slice %arg7[%dma_wait3A_75, %dma_wait3A_76] : memref<512x128xf32, #tpu.memory_space<vmem>> -> memref<128x128xf32, #tpu.memory_space<vmem>>
    %dma_wait3A_78 = arith.constant 0 : i32
    %dma_wait3A_79 = arith.constant 0 : i32
    %dma_wait3A_80 = tpu.memref_slice %arg5[%dma_wait3A_78, %dma_wait3A_79] : memref<47104x128xf32, #tpu.memory_space<hbm>> -> memref<47104x128xf32, #tpu.memory_space<hbm>>
    tpu.wait_indirect_dma semaphore(%arg8 : memref<!tpu.dma_semaphore, #tpu.memory_space<semaphore_mem>>) src(%dma_wait3A_77 : memref<128x128xf32, #tpu.memory_space<vmem>>) dst(%dma_wait3A_80 : memref<47104x128xf32, #tpu.memory_space<hbm>>)
    %mul3A_81 = arith.constant 4 : i32
    %mul3A_82 = arith.muli %add3A, %mul3A_81 : i32
    %add3A_83 = arith.constant 1 : i32
    %add3A_84 = arith.addi %mul3A_82, %add3A_83 : i32
    "tpu.region"() ({
      %run_scoped3A = tpu.sem_alloc : memref<!tpu.dma_semaphore, #tpu.memory_space<semaphore_mem>>
      %dma_start3A_129 = arith.constant 0 : i32
      %dma_start3A_130 = tpu.memref_slice %arg4[%add3A_84, %dma_start3A_129] : memref<128x128xi32, #tpu.memory_space<hbm>> -> memref<1x128xi32, #tpu.memory_space<hbm>>
      %dma_start3A_131 = tpu.memref_squeeze %dma_start3A_130 : memref<1x128xi32, #tpu.memory_space<hbm>> -> memref<128xi32, #tpu.memory_space<hbm>>
      %dma_start3A_132 = arith.constant 0 : i32
      %dma_start3A_133 = tpu.memref_slice %arg4[%add3A_84, %dma_start3A_132] : memref<128x128xi32, #tpu.memory_space<hbm>> -> memref<1x128xi32, #tpu.memory_space<hbm>>
      %dma_start3A_134 = tpu.memref_squeeze %dma_start3A_133 : memref<1x128xi32, #tpu.memory_space<hbm>> -> memref<128xi32, #tpu.memory_space<hbm>>
      tpu.enqueue_dma source(%dma_start3A_134 : memref<128xi32, #tpu.memory_space<hbm>>) target(%arg6 : memref<128xi32, #tpu.memory_space<vmem>>) target_semaphore(%run_scoped3A : memref<!tpu.dma_semaphore, #tpu.memory_space<semaphore_mem>>)
      %dma_wait3A_135 = arith.constant 0 : i32
      %dma_wait3A_136 = tpu.memref_slice %arg4[%add3A_84, %dma_wait3A_135] : memref<128x128xi32, #tpu.memory_space<hbm>> -> memref<1x128xi32, #tpu.memory_space<hbm>>
      %dma_wait3A_137 = tpu.memref_squeeze %dma_wait3A_136 : memref<1x128xi32, #tpu.memory_space<hbm>> -> memref<128xi32, #tpu.memory_space<hbm>>
      %dma_wait3A_138 = arith.constant 0 : i32
      %dma_wait3A_139 = tpu.memref_slice %arg4[%add3A_84, %dma_wait3A_138] : memref<128x128xi32, #tpu.memory_space<hbm>> -> memref<1x128xi32, #tpu.memory_space<hbm>>
      %dma_wait3A_140 = tpu.memref_squeeze %dma_wait3A_139 : memref<1x128xi32, #tpu.memory_space<hbm>> -> memref<128xi32, #tpu.memory_space<hbm>>
      tpu.wait_dma2 semaphore(%run_scoped3A : memref<!tpu.dma_semaphore, #tpu.memory_space<semaphore_mem>>) src(%dma_wait3A_140 : memref<128xi32, #tpu.memory_space<hbm>>) dst(%arg6 : memref<128xi32, #tpu.memory_space<vmem>>)
      tpu.yield
    }) : () -> ()
    %dma_start3A_85 = arith.constant 128 : i32
    %dma_start3A_86 = arith.constant 0 : i32
    %dma_start3A_87 = tpu.memref_slice %arg7[%dma_start3A_85, %dma_start3A_86] : memref<512x128xf32, #tpu.memory_space<vmem>> -> memref<128x128xf32, #tpu.memory_space<vmem>>
    %dma_start3A_88 = arith.constant 0 : i32
    %dma_start3A_89 = arith.constant 0 : i32
    %dma_start3A_90 = tpu.memref_slice %arg5[%dma_start3A_88, %dma_start3A_89] : memref<47104x128xf32, #tpu.memory_space<hbm>> -> memref<47104x128xf32, #tpu.memory_space<hbm>>
    tpu.enqueue_indirect_dma source(%dma_start3A_87 : memref<128x128xf32, #tpu.memory_space<vmem>>) target(%dma_start3A_90 : memref<47104x128xf32, #tpu.memory_space<hbm>>) offsets(%arg6 : memref<128xi32, #tpu.memory_space<vmem>>) semaphore(%arg8 : memref<!tpu.dma_semaphore, #tpu.memory_space<semaphore_mem>>)
    %dma_wait3A_91 = arith.constant 128 : i32
    %dma_wait3A_92 = arith.constant 0 : i32
    %dma_wait3A_93 = tpu.memref_slice %arg7[%dma_wait3A_91, %dma_wait3A_92] : memref<512x128xf32, #tpu.memory_space<vmem>> -> memref<128x128xf32, #tpu.memory_space<vmem>>
    %dma_wait3A_94 = arith.constant 0 : i32
    %dma_wait3A_95 = arith.constant 0 : i32
    %dma_wait3A_96 = tpu.memref_slice %arg5[%dma_wait3A_94, %dma_wait3A_95] : memref<47104x128xf32, #tpu.memory_space<hbm>> -> memref<47104x128xf32, #tpu.memory_space<hbm>>
    tpu.wait_indirect_dma semaphore(%arg8 : memref<!tpu.dma_semaphore, #tpu.memory_space<semaphore_mem>>) src(%dma_wait3A_93 : memref<128x128xf32, #tpu.memory_space<vmem>>) dst(%dma_wait3A_96 : memref<47104x128xf32, #tpu.memory_space<hbm>>)
    %mul3A_97 = arith.constant 4 : i32
    %mul3A_98 = arith.muli %add3A, %mul3A_97 : i32
    %add3A_99 = arith.constant 2 : i32
    %add3A_100 = arith.addi %mul3A_98, %add3A_99 : i32
    "tpu.region"() ({
      %run_scoped3A = tpu.sem_alloc : memref<!tpu.dma_semaphore, #tpu.memory_space<semaphore_mem>>
      %dma_start3A_129 = arith.constant 0 : i32
      %dma_start3A_130 = tpu.memref_slice %arg4[%add3A_100, %dma_start3A_129] : memref<128x128xi32, #tpu.memory_space<hbm>> -> memref<1x128xi32, #tpu.memory_space<hbm>>
      %dma_start3A_131 = tpu.memref_squeeze %dma_start3A_130 : memref<1x128xi32, #tpu.memory_space<hbm>> -> memref<128xi32, #tpu.memory_space<hbm>>
      %dma_start3A_132 = arith.constant 0 : i32
      %dma_start3A_133 = tpu.memref_slice %arg4[%add3A_100, %dma_start3A_132] : memref<128x128xi32, #tpu.memory_space<hbm>> -> memref<1x128xi32, #tpu.memory_space<hbm>>
      %dma_start3A_134 = tpu.memref_squeeze %dma_start3A_133 : memref<1x128xi32, #tpu.memory_space<hbm>> -> memref<128xi32, #tpu.memory_space<hbm>>
      tpu.enqueue_dma source(%dma_start3A_134 : memref<128xi32, #tpu.memory_space<hbm>>) target(%arg6 : memref<128xi32, #tpu.memory_space<vmem>>) target_semaphore(%run_scoped3A : memref<!tpu.dma_semaphore, #tpu.memory_space<semaphore_mem>>)
      %dma_wait3A_135 = arith.constant 0 : i32
      %dma_wait3A_136 = tpu.memref_slice %arg4[%add3A_100, %dma_wait3A_135] : memref<128x128xi32, #tpu.memory_space<hbm>> -> memref<1x128xi32, #tpu.memory_space<hbm>>
      %dma_wait3A_137 = tpu.memref_squeeze %dma_wait3A_136 : memref<1x128xi32, #tpu.memory_space<hbm>> -> memref<128xi32, #tpu.memory_space<hbm>>
      %dma_wait3A_138 = arith.constant 0 : i32
      %dma_wait3A_139 = tpu.memref_slice %arg4[%add3A_100, %dma_wait3A_138] : memref<128x128xi32, #tpu.memory_space<hbm>> -> memref<1x128xi32, #tpu.memory_space<hbm>>
      %dma_wait3A_140 = tpu.memref_squeeze %dma_wait3A_139 : memref<1x128xi32, #tpu.memory_space<hbm>> -> memref<128xi32, #tpu.memory_space<hbm>>
      tpu.wait_dma2 semaphore(%run_scoped3A : memref<!tpu.dma_semaphore, #tpu.memory_space<semaphore_mem>>) src(%dma_wait3A_140 : memref<128xi32, #tpu.memory_space<hbm>>) dst(%arg6 : memref<128xi32, #tpu.memory_space<vmem>>)
      tpu.yield
    }) : () -> ()
    %dma_start3A_101 = arith.constant 256 : i32
    %dma_start3A_102 = arith.constant 0 : i32
    %dma_start3A_103 = tpu.memref_slice %arg7[%dma_start3A_101, %dma_start3A_102] : memref<512x128xf32, #tpu.memory_space<vmem>> -> memref<128x128xf32, #tpu.memory_space<vmem>>
    %dma_start3A_104 = arith.constant 0 : i32
    %dma_start3A_105 = arith.constant 0 : i32
    %dma_start3A_106 = tpu.memref_slice %arg5[%dma_start3A_104, %dma_start3A_105] : memref<47104x128xf32, #tpu.memory_space<hbm>> -> memref<47104x128xf32, #tpu.memory_space<hbm>>
    tpu.enqueue_indirect_dma source(%dma_start3A_103 : memref<128x128xf32, #tpu.memory_space<vmem>>) target(%dma_start3A_106 : memref<47104x128xf32, #tpu.memory_space<hbm>>) offsets(%arg6 : memref<128xi32, #tpu.memory_space<vmem>>) semaphore(%arg8 : memref<!tpu.dma_semaphore, #tpu.memory_space<semaphore_mem>>)
    %dma_wait3A_107 = arith.constant 256 : i32
    %dma_wait3A_108 = arith.constant 0 : i32
    %dma_wait3A_109 = tpu.memref_slice %arg7[%dma_wait3A_107, %dma_wait3A_108] : memref<512x128xf32, #tpu.memory_space<vmem>> -> memref<128x128xf32, #tpu.memory_space<vmem>>
    %dma_wait3A_110 = arith.constant 0 : i32
    %dma_wait3A_111 = arith.constant 0 : i32
    %dma_wait3A_112 = tpu.memref_slice %arg5[%dma_wait3A_110, %dma_wait3A_111] : memref<47104x128xf32, #tpu.memory_space<hbm>> -> memref<47104x128xf32, #tpu.memory_space<hbm>>
    tpu.wait_indirect_dma semaphore(%arg8 : memref<!tpu.dma_semaphore, #tpu.memory_space<semaphore_mem>>) src(%dma_wait3A_109 : memref<128x128xf32, #tpu.memory_space<vmem>>) dst(%dma_wait3A_112 : memref<47104x128xf32, #tpu.memory_space<hbm>>)
    %mul3A_113 = arith.constant 4 : i32
    %mul3A_114 = arith.muli %add3A, %mul3A_113 : i32
    %add3A_115 = arith.constant 3 : i32
    %add3A_116 = arith.addi %mul3A_114, %add3A_115 : i32
    "tpu.region"() ({
      %run_scoped3A = tpu.sem_alloc : memref<!tpu.dma_semaphore, #tpu.memory_space<semaphore_mem>>
      %dma_start3A_129 = arith.constant 0 : i32
      %dma_start3A_130 = tpu.memref_slice %arg4[%add3A_116, %dma_start3A_129] : memref<128x128xi32, #tpu.memory_space<hbm>> -> memref<1x128xi32, #tpu.memory_space<hbm>>
      %dma_start3A_131 = tpu.memref_squeeze %dma_start3A_130 : memref<1x128xi32, #tpu.memory_space<hbm>> -> memref<128xi32, #tpu.memory_space<hbm>>
      %dma_start3A_132 = arith.constant 0 : i32
      %dma_start3A_133 = tpu.memref_slice %arg4[%add3A_116, %dma_start3A_132] : memref<128x128xi32, #tpu.memory_space<hbm>> -> memref<1x128xi32, #tpu.memory_space<hbm>>
      %dma_start3A_134 = tpu.memref_squeeze %dma_start3A_133 : memref<1x128xi32, #tpu.memory_space<hbm>> -> memref<128xi32, #tpu.memory_space<hbm>>
      tpu.enqueue_dma source(%dma_start3A_134 : memref<128xi32, #tpu.memory_space<hbm>>) target(%arg6 : memref<128xi32, #tpu.memory_space<vmem>>) target_semaphore(%run_scoped3A : memref<!tpu.dma_semaphore, #tpu.memory_space<semaphore_mem>>)
      %dma_wait3A_135 = arith.constant 0 : i32
      %dma_wait3A_136 = tpu.memref_slice %arg4[%add3A_116, %dma_wait3A_135] : memref<128x128xi32, #tpu.memory_space<hbm>> -> memref<1x128xi32, #tpu.memory_space<hbm>>
      %dma_wait3A_137 = tpu.memref_squeeze %dma_wait3A_136 : memref<1x128xi32, #tpu.memory_space<hbm>> -> memref<128xi32, #tpu.memory_space<hbm>>
      %dma_wait3A_138 = arith.constant 0 : i32
      %dma_wait3A_139 = tpu.memref_slice %arg4[%add3A_116, %dma_wait3A_138] : memref<128x128xi32, #tpu.memory_space<hbm>> -> memref<1x128xi32, #tpu.memory_space<hbm>>
      %dma_wait3A_140 = tpu.memref_squeeze %dma_wait3A_139 : memref<1x128xi32, #tpu.memory_space<hbm>> -> memref<128xi32, #tpu.memory_space<hbm>>
      tpu.wait_dma2 semaphore(%run_scoped3A : memref<!tpu.dma_semaphore, #tpu.memory_space<semaphore_mem>>) src(%dma_wait3A_140 : memref<128xi32, #tpu.memory_space<hbm>>) dst(%arg6 : memref<128xi32, #tpu.memory_space<vmem>>)
      tpu.yield
    }) : () -> ()
    %dma_start3A_117 = arith.constant 384 : i32
    %dma_start3A_118 = arith.constant 0 : i32
    %dma_start3A_119 = tpu.memref_slice %arg7[%dma_start3A_117, %dma_start3A_118] : memref<512x128xf32, #tpu.memory_space<vmem>> -> memref<128x128xf32, #tpu.memory_space<vmem>>
    %dma_start3A_120 = arith.constant 0 : i32
    %dma_start3A_121 = arith.constant 0 : i32
    %dma_start3A_122 = tpu.memref_slice %arg5[%dma_start3A_120, %dma_start3A_121] : memref<47104x128xf32, #tpu.memory_space<hbm>> -> memref<47104x128xf32, #tpu.memory_space<hbm>>
    tpu.enqueue_indirect_dma source(%dma_start3A_119 : memref<128x128xf32, #tpu.memory_space<vmem>>) target(%dma_start3A_122 : memref<47104x128xf32, #tpu.memory_space<hbm>>) offsets(%arg6 : memref<128xi32, #tpu.memory_space<vmem>>) semaphore(%arg8 : memref<!tpu.dma_semaphore, #tpu.memory_space<semaphore_mem>>)
    %dma_wait3A_123 = arith.constant 384 : i32
    %dma_wait3A_124 = arith.constant 0 : i32
    %dma_wait3A_125 = tpu.memref_slice %arg7[%dma_wait3A_123, %dma_wait3A_124] : memref<512x128xf32, #tpu.memory_space<vmem>> -> memref<128x128xf32, #tpu.memory_space<vmem>>
    %dma_wait3A_126 = arith.constant 0 : i32
    %dma_wait3A_127 = arith.constant 0 : i32
    %dma_wait3A_128 = tpu.memref_slice %arg5[%dma_wait3A_126, %dma_wait3A_127] : memref<47104x128xf32, #tpu.memory_space<hbm>> -> memref<47104x128xf32, #tpu.memory_space<hbm>>
    tpu.wait_indirect_dma semaphore(%arg8 : memref<!tpu.dma_semaphore, #tpu.memory_space<semaphore_mem>>) src(%dma_wait3A_125 : memref<128x128xf32, #tpu.memory_space<vmem>>) dst(%dma_wait3A_128 : memref<47104x128xf32, #tpu.memory_space<hbm>>)
    return
  }
}

module attributes {stable_mosaic.version = 14 : i64} {
  func.func @_a1_body(%arg0: i32, %arg1: memref<2048x1024xf32, #tpu.memory_space<vmem>>, %arg2: memref<1x1024xf32, #tpu.memory_space<vmem>>, %arg3: memref<1024x8xf32, #tpu.memory_space<vmem>>, %arg4: memref<2048x2048xbf16, #tpu.memory_space<vmem>>, %arg5: memref<1024x1024xbf16, #tpu.memory_space<vmem>>, %arg6: memref<1x1024xf32, #tpu.memory_space<vmem>>, %arg7: memref<1024x1024xbf16, #tpu.memory_space<vmem>>, %arg8: memref<1x1024xf32, #tpu.memory_space<vmem>>, %arg9: memref<2048x1024xf32, #tpu.memory_space<vmem>>, %arg10: memref<2048x1024xf32, #tpu.memory_space<vmem>>, %arg11: memref<2048x8xi32, #tpu.memory_space<vmem>>, %arg12: memref<2048x8xi32, #tpu.memory_space<vmem>>, %arg13: memref<2048x1xf32, #tpu.memory_space<vmem>>, %arg14: memref<2048x1xf32, #tpu.memory_space<vmem>>, %arg15: memref<32x1xi32, #tpu.memory_space<vmem>>) attributes {dimension_semantics = [#tpu.dimension_semantics<arbitrary>], iteration_bounds = array<i64: 1>, scalar_prefetch = 0 : i64, scratch_operands = 0 : i64, tpu.core_type = #tpu.core_type<tc>, window_params = [{pipeline_mode = #tpu.pipeline_mode<synchronous>, transform_indices = @transform_0, window_bounds = array<i64: 2048, 1024>}, {pipeline_mode = #tpu.pipeline_mode<synchronous>, transform_indices = @transform_1, window_bounds = array<i64: 1, 1024>}, {pipeline_mode = #tpu.pipeline_mode<synchronous>, transform_indices = @transform_2, window_bounds = array<i64: 1024, 8>}, {pipeline_mode = #tpu.pipeline_mode<synchronous>, transform_indices = @transform_3, window_bounds = array<i64: 2048, 2048>}, {pipeline_mode = #tpu.pipeline_mode<synchronous>, transform_indices = @transform_4, window_bounds = array<i64: 1024, 1024>}, {pipeline_mode = #tpu.pipeline_mode<synchronous>, transform_indices = @transform_5, window_bounds = array<i64: 1, 1024>}, {pipeline_mode = #tpu.pipeline_mode<synchronous>, transform_indices = @transform_6, window_bounds = array<i64: 1024, 1024>}, {pipeline_mode = #tpu.pipeline_mode<synchronous>, transform_indices = @transform_7, window_bounds = array<i64: 1, 1024>}, {pipeline_mode = #tpu.pipeline_mode<synchronous>, transform_indices = @transform_8, window_bounds = array<i64: 2048, 1024>}, {pipeline_mode = #tpu.pipeline_mode<synchronous>, transform_indices = @transform_9, window_bounds = array<i64: 2048, 1024>}, {pipeline_mode = #tpu.pipeline_mode<synchronous>, transform_indices = @transform_10, window_bounds = array<i64: 2048, 8>}, {pipeline_mode = #tpu.pipeline_mode<synchronous>, transform_indices = @transform_11, window_bounds = array<i64: 2048, 8>}, {pipeline_mode = #tpu.pipeline_mode<synchronous>, transform_indices = @transform_12, window_bounds = array<i64: 2048, 1>}, {pipeline_mode = #tpu.pipeline_mode<synchronous>, transform_indices = @transform_13, window_bounds = array<i64: 2048, 1>}, {pipeline_mode = #tpu.pipeline_mode<synchronous>, transform_indices = @transform_14, window_bounds = array<i64: 32, 1>}]} {
    %get3A = arith.constant 0 : index
    %get3A_0 = arith.constant 0 : index
    %get3A_1 = vector.load %arg1[%get3A, %get3A_0] : memref<2048x1024xf32, #tpu.memory_space<vmem>>, vector<2048x1024xf32>
    %mul3A = arith.mulf %get3A_1, %get3A_1 : vector<2048x1024xf32>
    %reduce_sum3A = arith.constant dense<0.000000e+00> : vector<2048xf32>
    %reduce_sum3A_2 = vector.multi_reduction <add>, %mul3A, %reduce_sum3A [1] : vector<2048x1024xf32> to vector<2048xf32>
    %broadcast_in_dim3A = vector.shape_cast %reduce_sum3A_2 : vector<2048xf32> to vector<2048x1xf32>
    %div3A = arith.constant 1.024000e+03 : f32
    %div3A_3 = vector.broadcast %div3A : f32 to vector<2048x1xf32>
    %div3A_4 = arith.divf %broadcast_in_dim3A, %div3A_3 : vector<2048x1xf32>
    %add3A = arith.constant 9.99999993E-9 : f32
    %add3A_5 = vector.broadcast %add3A : f32 to vector<2048x1xf32>
    %add3A_6 = arith.addf %div3A_4, %add3A_5 : vector<2048x1xf32>
    %rsqrt3A = math.rsqrt %add3A_6 : vector<2048x1xf32>
    %mul3A_7 = vector.broadcast %rsqrt3A : vector<2048x1xf32> to vector<2048x1024xf32>
    %mul3A_8 = arith.mulf %get3A_1, %mul3A_7 : vector<2048x1024xf32>
    %get3A_9 = arith.constant 0 : index
    %get3A_10 = arith.constant 0 : index
    %get3A_11 = vector.load %arg2[%get3A_9, %get3A_10] : memref<1x1024xf32, #tpu.memory_space<vmem>>, vector<1x1024xf32>
    %mul3A_12 = vector.broadcast %get3A_11 : vector<1x1024xf32> to vector<2048x1024xf32>
    %mul3A_13 = arith.mulf %mul3A_8, %mul3A_12 : vector<2048x1024xf32>
    %swap3A = arith.constant 0 : index
    %swap3A_14 = arith.constant 0 : index
    %swap3A_15 = vector.load %arg9[%swap3A, %swap3A_14] : memref<2048x1024xf32, #tpu.memory_space<vmem>>, vector<2048x1024xf32>
    tpu.vector_store %arg9[%swap3A, %swap3A_14], %mul3A_13 {strides = array<i32>} : memref<2048x1024xf32, #tpu.memory_space<vmem>>, vector<2048x1024xf32>,
    %get3A_16 = arith.constant 0 : index
    %get3A_17 = arith.constant 0 : index
    %get3A_18 = vector.load %arg3[%get3A_16, %get3A_17] : memref<1024x8xf32, #tpu.memory_space<vmem>>, vector<1024x8xf32>
    %dot_general3A = arith.constant dense<0.000000e+00> : vector<2048x8xf32>
    %dot_general3A_19 = tpu.matmul %mul3A_13, %get3A_18, %dot_general3A {dimension_numbers = #tpu.dot_dimension_numbers<[1], [0], [0], [1], [0, 0, 1, 1], [], []>, transpose_lhs_hint = false} : vector<2048x1024xf32>, vector<1024x8xf32>, vector<2048x8xf32> -> vector<2048x8xf32>
    %neg3A = arith.constant 0.000000e+00 : f32
    %neg3A_20 = vector.broadcast %neg3A : f32 to vector<2048x8xf32>
    %neg3A_21 = arith.subf %neg3A_20, %dot_general3A_19 : vector<2048x8xf32>
    %exp3A = math.exp %neg3A_21 : vector<2048x8xf32>
    %add3A_22 = arith.constant 1.000000e+00 : f32
    %add3A_23 = vector.broadcast %add3A_22 : f32 to vector<2048x8xf32>
    %add3A_24 = arith.addf %add3A_23, %exp3A : vector<2048x8xf32>
    %div3A_25 = arith.constant 1.000000e+00 : f32
    %div3A_26 = vector.broadcast %div3A_25 : f32 to vector<2048x8xf32>
    %div3A_27 = arith.divf %div3A_26, %add3A_24 : vector<2048x8xf32>
    %iota3A = tpu.iota {dimensions = array<i32: 1>} : vector<2048x8xi32>
    %reduce_max3A = arith.constant dense<0xFF800000> : vector<2048xf32>
    %reduce_max3A_28 = vector.multi_reduction <maximumf>, %div3A_27, %reduce_max3A [1] : vector<2048x8xf32> to vector<2048xf32>
    %broadcast_in_dim3A_29 = vector.shape_cast %reduce_max3A_28 : vector<2048xf32> to vector<2048x1xf32>
    %eq3A = vector.broadcast %broadcast_in_dim3A_29 : vector<2048x1xf32> to vector<2048x8xf32>
    %eq3A_30 = arith.cmpf oeq, %div3A_27, %eq3A : vector<2048x8xf32>
    %jit3A = arith.constant 8 : i32
    %broadcast_in_dim3A_31 = vector.broadcast %jit3A : i32 to vector<2048x8xi32>
    %select_n3A = arith.select %eq3A_30, %iota3A, %broadcast_in_dim3A_31 : vector<2048x8xi1>, vector<2048x8xi32>
    %reduce_min3A = arith.constant dense<2147483647> : vector<2048xi32>
    %reduce_min3A_32 = vector.multi_reduction <minsi>, %select_n3A, %reduce_min3A [1] : vector<2048x8xi32> to vector<2048xi32>
    %broadcast_in_dim3A_33 = vector.shape_cast %reduce_min3A_32 : vector<2048xi32> to vector<2048x1xi32>
    %eq3A_34 = vector.broadcast %broadcast_in_dim3A_33 : vector<2048x1xi32> to vector<2048x8xi32>
    %eq3A_35 = arith.cmpi eq, %iota3A, %eq3A_34 : vector<2048x8xi32>
    %jit3A_36 = arith.constant -1.000000e+00 : f32
    %broadcast_in_dim3A_37 = vector.broadcast %jit3A_36 : f32 to vector<2048x8xf32>
    %select_n3A_38 = arith.select %eq3A_35, %broadcast_in_dim3A_37, %div3A_27 : vector<2048x8xi1>, vector<2048x8xf32>
    %reduce_max3A_39 = arith.constant dense<0xFF800000> : vector<2048xf32>
    %reduce_max3A_40 = vector.multi_reduction <maximumf>, %select_n3A_38, %reduce_max3A_39 [1] : vector<2048x8xf32> to vector<2048xf32>
    %broadcast_in_dim3A_41 = vector.shape_cast %reduce_max3A_40 : vector<2048xf32> to vector<2048x1xf32>
    %eq3A_42 = vector.broadcast %broadcast_in_dim3A_41 : vector<2048x1xf32> to vector<2048x8xf32>
    %eq3A_43 = arith.cmpf oeq, %select_n3A_38, %eq3A_42 : vector<2048x8xf32>
    %jit3A_44 = arith.constant 8 : i32
    %broadcast_in_dim3A_45 = vector.broadcast %jit3A_44 : i32 to vector<2048x8xi32>
    %select_n3A_46 = arith.select %eq3A_43, %iota3A, %broadcast_in_dim3A_45 : vector<2048x8xi1>, vector<2048x8xi32>
    %reduce_min3A_47 = arith.constant dense<2147483647> : vector<2048xi32>
    %reduce_min3A_48 = vector.multi_reduction <minsi>, %select_n3A_46, %reduce_min3A_47 [1] : vector<2048x8xi32> to vector<2048xi32>
    %broadcast_in_dim3A_49 = vector.shape_cast %reduce_min3A_48 : vector<2048xi32> to vector<2048x1xi32>
    %add3A_50 = arith.addf %broadcast_in_dim3A_29, %broadcast_in_dim3A_41 : vector<2048x1xf32>
    %add3A_51 = arith.constant 9.99999997E-7 : f32
    %add3A_52 = vector.broadcast %add3A_51 : f32 to vector<2048x1xf32>
    %add3A_53 = arith.addf %add3A_50, %add3A_52 : vector<2048x1xf32>
    %div3A_54 = arith.divf %broadcast_in_dim3A_29, %add3A_53 : vector<2048x1xf32>
    %swap3A_55 = arith.constant 0 : index
    %swap3A_56 = arith.constant 0 : index
    %swap3A_57 = vector.load %arg13[%swap3A_55, %swap3A_56] : memref<2048x1xf32, #tpu.memory_space<vmem>>, vector<2048x1xf32>
    tpu.vector_store %arg13[%swap3A_55, %swap3A_56], %div3A_54 {strides = array<i32>} : memref<2048x1xf32, #tpu.memory_space<vmem>>, vector<2048x1xf32>,
    %div3A_58 = arith.divf %broadcast_in_dim3A_41, %add3A_53 : vector<2048x1xf32>
    %swap3A_59 = arith.constant 0 : index
    %swap3A_60 = arith.constant 0 : index
    %swap3A_61 = vector.load %arg14[%swap3A_59, %swap3A_60] : memref<2048x1xf32, #tpu.memory_space<vmem>>, vector<2048x1xf32>
    tpu.vector_store %arg14[%swap3A_59, %swap3A_60], %div3A_58 {strides = array<i32>} : memref<2048x1xf32, #tpu.memory_space<vmem>>, vector<2048x1xf32>,
    %eq3A_62 = vector.broadcast %broadcast_in_dim3A_33 : vector<2048x1xi32> to vector<2048x8xi32>
    %eq3A_63 = arith.cmpi eq, %iota3A, %eq3A_62 : vector<2048x8xi32>
    %convert_element_type3A = arith.extui %eq3A_63 : vector<2048x8xi1> to vector<2048x8xi32>
    %convert_element_type3A_64 = arith.sitofp %convert_element_type3A : vector<2048x8xi32> to vector<2048x8xf32>
    %eq3A_65 = vector.broadcast %broadcast_in_dim3A_49 : vector<2048x1xi32> to vector<2048x8xi32>
    %eq3A_66 = arith.cmpi eq, %iota3A, %eq3A_65 : vector<2048x8xi32>
    %convert_element_type3A_67 = arith.extui %eq3A_66 : vector<2048x8xi1> to vector<2048x8xi32>
    %convert_element_type3A_68 = arith.sitofp %convert_element_type3A_67 : vector<2048x8xi32> to vector<2048x8xf32>
    %add3A_69 = arith.addf %convert_element_type3A_64, %convert_element_type3A_68 : vector<2048x8xf32>
    %get3A_70 = arith.constant 0 : index
    %get3A_71 = arith.constant 0 : index
    %get3A_72 = vector.load %arg4[%get3A_70, %get3A_71] : memref<2048x2048xbf16, #tpu.memory_space<vmem>>, vector<2048x2048xbf16>
    %convert_element_type3A_73 = arith.truncf %add3A_69 : vector<2048x8xf32> to vector<2048x8xbf16>
    %dot_general3A_74 = arith.constant dense<0.000000e+00> : vector<2048x8xf32>
    %dot_general3A_75 = tpu.matmul %get3A_72, %convert_element_type3A_73, %dot_general3A_74 {dimension_numbers = #tpu.dot_dimension_numbers<[1], [0], [0], [1], [0, 0, 1, 1], [], []>, transpose_lhs_hint = false} : vector<2048x2048xbf16>, vector<2048x8xbf16>, vector<2048x8xf32> -> vector<2048x8xf32>
    %slice3A = vector.extract_strided_slice %dot_general3A_75 {offsets = [2047, 0], sizes = [1, 8], strides = [1, 1]} : vector<2048x8xf32> to vector<1x8xf32>
    %slice3A_76 = vector.extract_strided_slice %add3A_69 {offsets = [2047, 0], sizes = [1, 8], strides = [1, 1]} : vector<2048x8xf32> to vector<1x8xf32>
    %add3A_77 = arith.addf %slice3A, %slice3A_76 : vector<1x8xf32>
    %mul3A_78 = arith.constant 3.906250e-03 : f32
    %mul3A_79 = vector.broadcast %mul3A_78 : f32 to vector<1x8xf32>
    %mul3A_80 = arith.mulf %add3A_77, %mul3A_79 : vector<1x8xf32>
    %ceil3A = math.ceil %mul3A_80 : vector<1x8xf32>
    %iota3A_81 = tpu.iota {dimensions = array<i32: 0>} : vector<8x8xi32>
    %iota3A_82 = tpu.iota {dimensions = array<i32: 1>} : vector<8x8xi32>
    %lt3A = arith.cmpi slt, %iota3A_81, %iota3A_82 : vector<8x8xi32>
    %convert_element_type3A_83 = arith.extui %lt3A : vector<8x8xi1> to vector<8x8xi32>
    %convert_element_type3A_84 = arith.sitofp %convert_element_type3A_83 : vector<8x8xi32> to vector<8x8xf32>
    %dot_general3A_85 = arith.constant dense<0.000000e+00> : vector<1x8xf32>
    %dot_general3A_86 = tpu.matmul %ceil3A, %convert_element_type3A_84, %dot_general3A_85 {dimension_numbers = #tpu.dot_dimension_numbers<[1], [0], [0], [1], [0, 0, 1, 1], [], []>, transpose_lhs_hint = false} : vector<1x8xf32>, vector<8x8xf32>, vector<1x8xf32> -> vector<1x8xf32>
    %mul3A_87 = arith.constant 2.560000e+02 : f32
    %mul3A_88 = vector.broadcast %mul3A_87 : f32 to vector<1x8xf32>
    %mul3A_89 = arith.mulf %dot_general3A_86, %mul3A_88 : vector<1x8xf32>
    %add3A_90 = vector.broadcast %mul3A_89 : vector<1x8xf32> to vector<2048x8xf32>
    %add3A_91 = arith.addf %add3A_90, %dot_general3A_75 : vector<2048x8xf32>
    %mul3A_92 = arith.mulf %convert_element_type3A_64, %add3A_91 : vector<2048x8xf32>
    %reduce_sum3A_93 = arith.constant dense<0.000000e+00> : vector<2048xf32>
    %reduce_sum3A_94 = vector.multi_reduction <add>, %mul3A_92, %reduce_sum3A_93 [1] : vector<2048x8xf32> to vector<2048xf32>
    %broadcast_in_dim3A_95 = vector.shape_cast %reduce_sum3A_94 : vector<2048xf32> to vector<2048x1xf32>
    %add3A_96 = vector.broadcast %mul3A_89 : vector<1x8xf32> to vector<2048x8xf32>
    %add3A_97 = arith.addf %add3A_96, %dot_general3A_75 : vector<2048x8xf32>
    %mul3A_98 = arith.mulf %convert_element_type3A_68, %add3A_97 : vector<2048x8xf32>
    %reduce_sum3A_99 = arith.constant dense<0.000000e+00> : vector<2048xf32>
    %reduce_sum3A_100 = vector.multi_reduction <add>, %mul3A_98, %reduce_sum3A_99 [1] : vector<2048x8xf32> to vector<2048xf32>
    %broadcast_in_dim3A_101 = vector.shape_cast %reduce_sum3A_100 : vector<2048xf32> to vector<2048x1xf32>
    %iota3A_102 = tpu.iota {dimensions = array<i32: 1>} : vector<1x8xi32>
    %convert_element_type3A_103 = arith.sitofp %iota3A_102 : vector<1x8xi32> to vector<1x8xf32>
    %mul3A_104 = arith.constant 8.000000e+00 : f32
    %mul3A_105 = vector.broadcast %mul3A_104 : f32 to vector<2048x1xf32>
    %mul3A_106 = arith.mulf %broadcast_in_dim3A_95, %mul3A_105 : vector<2048x1xf32>
    %add3A_107 = vector.broadcast %mul3A_106 : vector<2048x1xf32> to vector<2048x8xf32>
    %add3A_108 = vector.broadcast %convert_element_type3A_103 : vector<1x8xf32> to vector<2048x8xf32>
    %add3A_109 = arith.addf %add3A_107, %add3A_108 : vector<2048x8xf32>
    %convert_element_type3A_110 = arith.fptosi %add3A_109 : vector<2048x8xf32> to vector<2048x8xi32>
    %swap3A_111 = arith.constant 0 : index
    %swap3A_112 = arith.constant 0 : index
    %swap3A_113 = vector.load %arg11[%swap3A_111, %swap3A_112] : memref<2048x8xi32, #tpu.memory_space<vmem>>, vector<2048x8xi32>
    tpu.vector_store %arg11[%swap3A_111, %swap3A_112], %convert_element_type3A_110 {strides = array<i32>} : memref<2048x8xi32, #tpu.memory_space<vmem>>, vector<2048x8xi32>,
    %mul3A_114 = arith.constant 8.000000e+00 : f32
    %mul3A_115 = vector.broadcast %mul3A_114 : f32 to vector<2048x1xf32>
    %mul3A_116 = arith.mulf %broadcast_in_dim3A_101, %mul3A_115 : vector<2048x1xf32>
    %add3A_117 = vector.broadcast %mul3A_116 : vector<2048x1xf32> to vector<2048x8xf32>
    %add3A_118 = vector.broadcast %convert_element_type3A_103 : vector<1x8xf32> to vector<2048x8xf32>
    %add3A_119 = arith.addf %add3A_117, %add3A_118 : vector<2048x8xf32>
    %convert_element_type3A_120 = arith.fptosi %add3A_119 : vector<2048x8xf32> to vector<2048x8xi32>
    %swap3A_121 = arith.constant 0 : index
    %swap3A_122 = arith.constant 0 : index
    %swap3A_123 = vector.load %arg12[%swap3A_121, %swap3A_122] : memref<2048x8xi32, #tpu.memory_space<vmem>>, vector<2048x8xi32>
    tpu.vector_store %arg12[%swap3A_121, %swap3A_122], %convert_element_type3A_120 {strides = array<i32>} : memref<2048x8xi32, #tpu.memory_space<vmem>>, vector<2048x8xi32>,
    %iota3A_124 = tpu.iota {dimensions = array<i32: 0>} : vector<32x1xi32>
    %convert_element_type3A_125 = arith.sitofp %iota3A_124 : vector<32x1xi32> to vector<32x1xf32>
    %broadcast_in_dim3A_126 = vector.shape_cast %dot_general3A_86 : vector<1x8xf32> to vector<1x8xf32>
    %broadcast_in_dim3A_127 = vector.broadcast %broadcast_in_dim3A_126 : vector<1x8xf32> to vector<32x8xf32>
    %le3A = vector.broadcast %convert_element_type3A_125 : vector<32x1xf32> to vector<32x8xf32>
    %le3A_128 = arith.cmpf ole, %broadcast_in_dim3A_127, %le3A : vector<32x8xf32>
    %convert_element_type3A_129 = arith.extui %le3A_128 : vector<32x8xi1> to vector<32x8xi32>
    %convert_element_type3A_130 = arith.sitofp %convert_element_type3A_129 : vector<32x8xi32> to vector<32x8xf32>
    %reduce_sum3A_131 = arith.constant dense<0.000000e+00> : vector<32xf32>
    %reduce_sum3A_132 = vector.multi_reduction <add>, %convert_element_type3A_130, %reduce_sum3A_131 [1] : vector<32x8xf32> to vector<32xf32>
    %broadcast_in_dim3A_133 = vector.shape_cast %reduce_sum3A_132 : vector<32xf32> to vector<32x1xf32>
    %sub3A = arith.constant 1.000000e+00 : f32
    %sub3A_134 = vector.broadcast %sub3A : f32 to vector<32x1xf32>
    %sub3A_135 = arith.subf %broadcast_in_dim3A_133, %sub3A_134 : vector<32x1xf32>
    %convert_element_type3A_136 = arith.fptosi %sub3A_135 : vector<32x1xf32> to vector<32x1xi32>
    %swap3A_137 = arith.constant 0 : index
    %swap3A_138 = arith.constant 0 : index
    %swap3A_139 = vector.load %arg15[%swap3A_137, %swap3A_138] : memref<32x1xi32, #tpu.memory_space<vmem>>, vector<32x1xi32>
    tpu.vector_store %arg15[%swap3A_137, %swap3A_138], %convert_element_type3A_136 {strides = array<i32>} : memref<32x1xi32, #tpu.memory_space<vmem>>, vector<32x1xi32>,
    %slice3A_140 = vector.extract_strided_slice %mul3A_13 {offsets = [0, 0], sizes = [512, 1024], strides = [1, 1]} : vector<2048x1024xf32> to vector<512x1024xf32>
    %convert_element_type3A_141 = arith.truncf %slice3A_140 : vector<512x1024xf32> to vector<512x1024xbf16>
    %get3A_142 = arith.constant 0 : index
    %get3A_143 = arith.constant 0 : index
    %get3A_144 = vector.load %arg5[%get3A_142, %get3A_143] : memref<1024x1024xbf16, #tpu.memory_space<vmem>>, vector<1024x1024xbf16>
    %dot_general3A_145 = arith.constant dense<0.000000e+00> : vector<512x1024xf32>
    %dot_general3A_146 = tpu.matmul %convert_element_type3A_141, %get3A_144, %dot_general3A_145 {dimension_numbers = #tpu.dot_dimension_numbers<[1], [0], [0], [1], [0, 0, 1, 1], [], []>, transpose_lhs_hint = false} : vector<512x1024xbf16>, vector<1024x1024xbf16>, vector<512x1024xf32> -> vector<512x1024xf32>
    %get3A_147 = arith.constant 0 : index
    %get3A_148 = arith.constant 0 : index
    %get3A_149 = vector.load %arg6[%get3A_147, %get3A_148] : memref<1x1024xf32, #tpu.memory_space<vmem>>, vector<1x1024xf32>
    %add3A_150 = vector.broadcast %get3A_149 : vector<1x1024xf32> to vector<512x1024xf32>
    %add3A_151 = arith.addf %dot_general3A_146, %add3A_150 : vector<512x1024xf32>
    %max3A = arith.constant 0.000000e+00 : f32
    %max3A_152 = vector.broadcast %max3A : f32 to vector<512x1024xf32>
    %max3A_153 = arith.maximumf %add3A_151, %max3A_152 : vector<512x1024xf32>
    %convert_element_type3A_154 = arith.truncf %max3A_153 : vector<512x1024xf32> to vector<512x1024xbf16>
    %get3A_155 = arith.constant 0 : index
    %get3A_156 = arith.constant 0 : index
    %get3A_157 = vector.load %arg7[%get3A_155, %get3A_156] : memref<1024x1024xbf16, #tpu.memory_space<vmem>>, vector<1024x1024xbf16>
    %dot_general3A_158 = arith.constant dense<0.000000e+00> : vector<512x1024xf32>
    %dot_general3A_159 = tpu.matmul %convert_element_type3A_154, %get3A_157, %dot_general3A_158 {dimension_numbers = #tpu.dot_dimension_numbers<[1], [0], [0], [1], [0, 0, 1, 1], [], []>, transpose_lhs_hint = false} : vector<512x1024xbf16>, vector<1024x1024xbf16>, vector<512x1024xf32> -> vector<512x1024xf32>
    %get3A_160 = arith.constant 0 : index
    %get3A_161 = arith.constant 0 : index
    %get3A_162 = vector.load %arg8[%get3A_160, %get3A_161] : memref<1x1024xf32, #tpu.memory_space<vmem>>, vector<1x1024xf32>
    %add3A_163 = vector.broadcast %get3A_162 : vector<1x1024xf32> to vector<512x1024xf32>
    %add3A_164 = arith.addf %dot_general3A_159, %add3A_163 : vector<512x1024xf32>
    %swap3A_165 = arith.constant 0 : index
    %swap3A_166 = arith.constant 0 : index
    %swap3A_167 = vector.load %arg10[%swap3A_165, %swap3A_166] : memref<2048x1024xf32, #tpu.memory_space<vmem>>, vector<512x1024xf32>
    tpu.vector_store %arg10[%swap3A_165, %swap3A_166], %add3A_164 {strides = array<i32>} : memref<2048x1024xf32, #tpu.memory_space<vmem>>, vector<512x1024xf32>,
    %slice3A_168 = vector.extract_strided_slice %mul3A_13 {offsets = [512, 0], sizes = [512, 1024], strides = [1, 1]} : vector<2048x1024xf32> to vector<512x1024xf32>
    %convert_element_type3A_169 = arith.truncf %slice3A_168 : vector<512x1024xf32> to vector<512x1024xbf16>
    %get3A_170 = arith.constant 0 : index
    %get3A_171 = arith.constant 0 : index
    %get3A_172 = vector.load %arg5[%get3A_170, %get3A_171] : memref<1024x1024xbf16, #tpu.memory_space<vmem>>, vector<1024x1024xbf16>
    %dot_general3A_173 = arith.constant dense<0.000000e+00> : vector<512x1024xf32>
    %dot_general3A_174 = tpu.matmul %convert_element_type3A_169, %get3A_172, %dot_general3A_173 {dimension_numbers = #tpu.dot_dimension_numbers<[1], [0], [0], [1], [0, 0, 1, 1], [], []>, transpose_lhs_hint = false} : vector<512x1024xbf16>, vector<1024x1024xbf16>, vector<512x1024xf32> -> vector<512x1024xf32>
    %get3A_175 = arith.constant 0 : index
    %get3A_176 = arith.constant 0 : index
    %get3A_177 = vector.load %arg6[%get3A_175, %get3A_176] : memref<1x1024xf32, #tpu.memory_space<vmem>>, vector<1x1024xf32>
    %add3A_178 = vector.broadcast %get3A_177 : vector<1x1024xf32> to vector<512x1024xf32>
    %add3A_179 = arith.addf %dot_general3A_174, %add3A_178 : vector<512x1024xf32>
    %max3A_180 = arith.constant 0.000000e+00 : f32
    %max3A_181 = vector.broadcast %max3A_180 : f32 to vector<512x1024xf32>
    %max3A_182 = arith.maximumf %add3A_179, %max3A_181 : vector<512x1024xf32>
    %convert_element_type3A_183 = arith.truncf %max3A_182 : vector<512x1024xf32> to vector<512x1024xbf16>
    %get3A_184 = arith.constant 0 : index
    %get3A_185 = arith.constant 0 : index
    %get3A_186 = vector.load %arg7[%get3A_184, %get3A_185] : memref<1024x1024xbf16, #tpu.memory_space<vmem>>, vector<1024x1024xbf16>
    %dot_general3A_187 = arith.constant dense<0.000000e+00> : vector<512x1024xf32>
    %dot_general3A_188 = tpu.matmul %convert_element_type3A_183, %get3A_186, %dot_general3A_187 {dimension_numbers = #tpu.dot_dimension_numbers<[1], [0], [0], [1], [0, 0, 1, 1], [], []>, transpose_lhs_hint = false} : vector<512x1024xbf16>, vector<1024x1024xbf16>, vector<512x1024xf32> -> vector<512x1024xf32>
    %get3A_189 = arith.constant 0 : index
    %get3A_190 = arith.constant 0 : index
    %get3A_191 = vector.load %arg8[%get3A_189, %get3A_190] : memref<1x1024xf32, #tpu.memory_space<vmem>>, vector<1x1024xf32>
    %add3A_192 = vector.broadcast %get3A_191 : vector<1x1024xf32> to vector<512x1024xf32>
    %add3A_193 = arith.addf %dot_general3A_188, %add3A_192 : vector<512x1024xf32>
    %swap3A_194 = arith.constant 512 : index
    %swap3A_195 = arith.constant 0 : index
    %swap3A_196 = vector.load %arg10[%swap3A_194, %swap3A_195] : memref<2048x1024xf32, #tpu.memory_space<vmem>>, vector<512x1024xf32>
    tpu.vector_store %arg10[%swap3A_194, %swap3A_195], %add3A_193 {strides = array<i32>} : memref<2048x1024xf32, #tpu.memory_space<vmem>>, vector<512x1024xf32>,
    %slice3A_197 = vector.extract_strided_slice %mul3A_13 {offsets = [1024, 0], sizes = [512, 1024], strides = [1, 1]} : vector<2048x1024xf32> to vector<512x1024xf32>
    %convert_element_type3A_198 = arith.truncf %slice3A_197 : vector<512x1024xf32> to vector<512x1024xbf16>
    %get3A_199 = arith.constant 0 : index
    %get3A_200 = arith.constant 0 : index
    %get3A_201 = vector.load %arg5[%get3A_199, %get3A_200] : memref<1024x1024xbf16, #tpu.memory_space<vmem>>, vector<1024x1024xbf16>
    %dot_general3A_202 = arith.constant dense<0.000000e+00> : vector<512x1024xf32>
    %dot_general3A_203 = tpu.matmul %convert_element_type3A_198, %get3A_201, %dot_general3A_202 {dimension_numbers = #tpu.dot_dimension_numbers<[1], [0], [0], [1], [0, 0, 1, 1], [], []>, transpose_lhs_hint = false} : vector<512x1024xbf16>, vector<1024x1024xbf16>, vector<512x1024xf32> -> vector<512x1024xf32>
    %get3A_204 = arith.constant 0 : index
    %get3A_205 = arith.constant 0 : index
    %get3A_206 = vector.load %arg6[%get3A_204, %get3A_205] : memref<1x1024xf32, #tpu.memory_space<vmem>>, vector<1x1024xf32>
    %add3A_207 = vector.broadcast %get3A_206 : vector<1x1024xf32> to vector<512x1024xf32>
    %add3A_208 = arith.addf %dot_general3A_203, %add3A_207 : vector<512x1024xf32>
    %max3A_209 = arith.constant 0.000000e+00 : f32
    %max3A_210 = vector.broadcast %max3A_209 : f32 to vector<512x1024xf32>
    %max3A_211 = arith.maximumf %add3A_208, %max3A_210 : vector<512x1024xf32>
    %convert_element_type3A_212 = arith.truncf %max3A_211 : vector<512x1024xf32> to vector<512x1024xbf16>
    %get3A_213 = arith.constant 0 : index
    %get3A_214 = arith.constant 0 : index
    %get3A_215 = vector.load %arg7[%get3A_213, %get3A_214] : memref<1024x1024xbf16, #tpu.memory_space<vmem>>, vector<1024x1024xbf16>
    %dot_general3A_216 = arith.constant dense<0.000000e+00> : vector<512x1024xf32>
    %dot_general3A_217 = tpu.matmul %convert_element_type3A_212, %get3A_215, %dot_general3A_216 {dimension_numbers = #tpu.dot_dimension_numbers<[1], [0], [0], [1], [0, 0, 1, 1], [], []>, transpose_lhs_hint = false} : vector<512x1024xbf16>, vector<1024x1024xbf16>, vector<512x1024xf32> -> vector<512x1024xf32>
    %get3A_218 = arith.constant 0 : index
    %get3A_219 = arith.constant 0 : index
    %get3A_220 = vector.load %arg8[%get3A_218, %get3A_219] : memref<1x1024xf32, #tpu.memory_space<vmem>>, vector<1x1024xf32>
    %add3A_221 = vector.broadcast %get3A_220 : vector<1x1024xf32> to vector<512x1024xf32>
    %add3A_222 = arith.addf %dot_general3A_217, %add3A_221 : vector<512x1024xf32>
    %swap3A_223 = arith.constant 1024 : index
    %swap3A_224 = arith.constant 0 : index
    %swap3A_225 = vector.load %arg10[%swap3A_223, %swap3A_224] : memref<2048x1024xf32, #tpu.memory_space<vmem>>, vector<512x1024xf32>
    tpu.vector_store %arg10[%swap3A_223, %swap3A_224], %add3A_222 {strides = array<i32>} : memref<2048x1024xf32, #tpu.memory_space<vmem>>, vector<512x1024xf32>,
    %slice3A_226 = vector.extract_strided_slice %mul3A_13 {offsets = [1536, 0], sizes = [512, 1024], strides = [1, 1]} : vector<2048x1024xf32> to vector<512x1024xf32>
    %convert_element_type3A_227 = arith.truncf %slice3A_226 : vector<512x1024xf32> to vector<512x1024xbf16>
    %get3A_228 = arith.constant 0 : index
    %get3A_229 = arith.constant 0 : index
    %get3A_230 = vector.load %arg5[%get3A_228, %get3A_229] : memref<1024x1024xbf16, #tpu.memory_space<vmem>>, vector<1024x1024xbf16>
    %dot_general3A_231 = arith.constant dense<0.000000e+00> : vector<512x1024xf32>
    %dot_general3A_232 = tpu.matmul %convert_element_type3A_227, %get3A_230, %dot_general3A_231 {dimension_numbers = #tpu.dot_dimension_numbers<[1], [0], [0], [1], [0, 0, 1, 1], [], []>, transpose_lhs_hint = false} : vector<512x1024xbf16>, vector<1024x1024xbf16>, vector<512x1024xf32> -> vector<512x1024xf32>
    %get3A_233 = arith.constant 0 : index
    %get3A_234 = arith.constant 0 : index
    %get3A_235 = vector.load %arg6[%get3A_233, %get3A_234] : memref<1x1024xf32, #tpu.memory_space<vmem>>, vector<1x1024xf32>
    %add3A_236 = vector.broadcast %get3A_235 : vector<1x1024xf32> to vector<512x1024xf32>
    %add3A_237 = arith.addf %dot_general3A_232, %add3A_236 : vector<512x1024xf32>
    %max3A_238 = arith.constant 0.000000e+00 : f32
    %max3A_239 = vector.broadcast %max3A_238 : f32 to vector<512x1024xf32>
    %max3A_240 = arith.maximumf %add3A_237, %max3A_239 : vector<512x1024xf32>
    %convert_element_type3A_241 = arith.truncf %max3A_240 : vector<512x1024xf32> to vector<512x1024xbf16>
    %get3A_242 = arith.constant 0 : index
    %get3A_243 = arith.constant 0 : index
    %get3A_244 = vector.load %arg7[%get3A_242, %get3A_243] : memref<1024x1024xbf16, #tpu.memory_space<vmem>>, vector<1024x1024xbf16>
    %dot_general3A_245 = arith.constant dense<0.000000e+00> : vector<512x1024xf32>
    %dot_general3A_246 = tpu.matmul %convert_element_type3A_241, %get3A_244, %dot_general3A_245 {dimension_numbers = #tpu.dot_dimension_numbers<[1], [0], [0], [1], [0, 0, 1, 1], [], []>, transpose_lhs_hint = false} : vector<512x1024xbf16>, vector<1024x1024xbf16>, vector<512x1024xf32> -> vector<512x1024xf32>
    %get3A_247 = arith.constant 0 : index
    %get3A_248 = arith.constant 0 : index
    %get3A_249 = vector.load %arg8[%get3A_247, %get3A_248] : memref<1x1024xf32, #tpu.memory_space<vmem>>, vector<1x1024xf32>
    %add3A_250 = vector.broadcast %get3A_249 : vector<1x1024xf32> to vector<512x1024xf32>
    %add3A_251 = arith.addf %dot_general3A_246, %add3A_250 : vector<512x1024xf32>
    %swap3A_252 = arith.constant 1536 : index
    %swap3A_253 = arith.constant 0 : index
    %swap3A_254 = vector.load %arg10[%swap3A_252, %swap3A_253] : memref<2048x1024xf32, #tpu.memory_space<vmem>>, vector<512x1024xf32>
    tpu.vector_store %arg10[%swap3A_252, %swap3A_253], %add3A_251 {strides = array<i32>} : memref<2048x1024xf32, #tpu.memory_space<vmem>>, vector<512x1024xf32>,
    return
  }
  func.func @transform_0(%arg0: i32) -> (i32, i32) {
    %c0_i32 = arith.constant 0 : i32
    %c0_i32_0 = arith.constant 0 : i32
    %c0_i32_1 = arith.constant 0 : i32
    return %c0_i32, %c0_i32_0 : i32, i32
  }
  func.func @transform_1(%arg0: i32) -> (i32, i32) {
    %c0_i32 = arith.constant 0 : i32
    %c0_i32_0 = arith.constant 0 : i32
    %c0_i32_1 = arith.constant 0 : i32
    return %c0_i32, %c0_i32_0 : i32, i32
  }
  func.func @transform_2(%arg0: i32) -> (i32, i32) {
    %c0_i32 = arith.constant 0 : i32
    %c0_i32_0 = arith.constant 0 : i32
    %c0_i32_1 = arith.constant 0 : i32
    return %c0_i32, %c0_i32_0 : i32, i32
  }
  func.func @transform_3(%arg0: i32) -> (i32, i32) {
    %c0_i32 = arith.constant 0 : i32
    %c0_i32_0 = arith.constant 0 : i32
    %c0_i32_1 = arith.constant 0 : i32
    return %c0_i32, %c0_i32_0 : i32, i32
  }
  func.func @transform_4(%arg0: i32) -> (i32, i32) {
    %c0_i32 = arith.constant 0 : i32
    %c0_i32_0 = arith.constant 0 : i32
    %c0_i32_1 = arith.constant 0 : i32
    return %c0_i32, %c0_i32_0 : i32, i32
  }
  func.func @transform_5(%arg0: i32) -> (i32, i32) {
    %c0_i32 = arith.constant 0 : i32
    %c0_i32_0 = arith.constant 0 : i32
    %c0_i32_1 = arith.constant 0 : i32
    return %c0_i32, %c0_i32_0 : i32, i32
  }
  func.func @transform_6(%arg0: i32) -> (i32, i32) {
    %c0_i32 = arith.constant 0 : i32
    %c0_i32_0 = arith.constant 0 : i32
    %c0_i32_1 = arith.constant 0 : i32
    return %c0_i32, %c0_i32_0 : i32, i32
  }
  func.func @transform_7(%arg0: i32) -> (i32, i32) {
    %c0_i32 = arith.constant 0 : i32
    %c0_i32_0 = arith.constant 0 : i32
    %c0_i32_1 = arith.constant 0 : i32
    return %c0_i32, %c0_i32_0 : i32, i32
  }
  func.func @transform_8(%arg0: i32) -> (i32, i32) {
    %c0_i32 = arith.constant 0 : i32
    %c0_i32_0 = arith.constant 0 : i32
    %c0_i32_1 = arith.constant 0 : i32
    return %c0_i32, %c0_i32_0 : i32, i32
  }
  func.func @transform_9(%arg0: i32) -> (i32, i32) {
    %c0_i32 = arith.constant 0 : i32
    %c0_i32_0 = arith.constant 0 : i32
    %c0_i32_1 = arith.constant 0 : i32
    return %c0_i32, %c0_i32_0 : i32, i32
  }
  func.func @transform_10(%arg0: i32) -> (i32, i32) {
    %c0_i32 = arith.constant 0 : i32
    %c0_i32_0 = arith.constant 0 : i32
    %c0_i32_1 = arith.constant 0 : i32
    return %c0_i32, %c0_i32_0 : i32, i32
  }
  func.func @transform_11(%arg0: i32) -> (i32, i32) {
    %c0_i32 = arith.constant 0 : i32
    %c0_i32_0 = arith.constant 0 : i32
    %c0_i32_1 = arith.constant 0 : i32
    return %c0_i32, %c0_i32_0 : i32, i32
  }
  func.func @transform_12(%arg0: i32) -> (i32, i32) {
    %c0_i32 = arith.constant 0 : i32
    %c0_i32_0 = arith.constant 0 : i32
    %c0_i32_1 = arith.constant 0 : i32
    return %c0_i32, %c0_i32_0 : i32, i32
  }
  func.func @transform_13(%arg0: i32) -> (i32, i32) {
    %c0_i32 = arith.constant 0 : i32
    %c0_i32_0 = arith.constant 0 : i32
    %c0_i32_1 = arith.constant 0 : i32
    return %c0_i32, %c0_i32_0 : i32, i32
  }
  func.func @transform_14(%arg0: i32) -> (i32, i32) {
    %c0_i32 = arith.constant 0 : i32
    %c0_i32_0 = arith.constant 0 : i32
    %c0_i32_1 = arith.constant 0 : i32
    return %c0_i32, %c0_i32_0 : i32, i32
  }
}

module attributes {stable_mosaic.version = 14 : i64} {
  func.func @_c_body(%arg0: i32, %arg1: memref<23xi32, #tpu.memory_space<smem>>, %arg2: memref<2048x128xf32, #tpu.memory_space<vmem>>, %arg3: memref<1x1024x1024xbf16, #tpu.memory_space<vmem>>, %arg4: memref<1x1x1024xf32, #tpu.memory_space<vmem>>, %arg5: memref<1x1024x1024xbf16, #tpu.memory_space<vmem>>, %arg6: memref<1x1x1024xf32, #tpu.memory_space<vmem>>, %arg7: memref<2048x128xf32, #tpu.memory_space<vmem>>) attributes {dimension_semantics = [#tpu.dimension_semantics<arbitrary>], iteration_bounds = array<i64: 23>, scalar_prefetch = 1 : i64, scratch_operands = 0 : i64, tpu.core_type = #tpu.core_type<tc>, window_params = [{transform_indices = @transform_0, window_bounds = array<i64: 2048, 128>}, {transform_indices = @transform_1, window_bounds = array<i64: 1, 1024, 1024>}, {transform_indices = @transform_2, window_bounds = array<i64: 1, 1, 1024>}, {transform_indices = @transform_3, window_bounds = array<i64: 1, 1024, 1024>}, {transform_indices = @transform_4, window_bounds = array<i64: 1, 1, 1024>}, {transform_indices = @transform_5, window_bounds = array<i64: 2048, 128>}]} {
    %get3A = arith.constant 0 : index
    %get3A_0 = arith.constant 0 : index
    %get3A_1 = vector.load %arg2[%get3A, %get3A_0] : memref<2048x128xf32, #tpu.memory_space<vmem>>, vector<2048x128xf32>
    %reshape3A = vector.shape_cast %get3A_1 : vector<2048x128xf32> to vector<256x1024xf32>
    %convert_element_type3A = arith.truncf %reshape3A : vector<256x1024xf32> to vector<256x1024xbf16>
    %get3A_2 = arith.constant 0 : index
    %get3A_3 = arith.constant 0 : index
    %get3A_4 = arith.constant 0 : index
    %get3A_5 = vector.load %arg3[%get3A_2, %get3A_3, %get3A_4] : memref<1x1024x1024xbf16, #tpu.memory_space<vmem>>, vector<1x1024x1024xbf16>
    %get3A_6 = vector.shape_cast %get3A_5 : vector<1x1024x1024xbf16> to vector<1024x1024xbf16>
    %dot_general3A = arith.constant dense<0.000000e+00> : vector<256x1024xf32>
    %dot_general3A_7 = tpu.matmul %convert_element_type3A, %get3A_6, %dot_general3A {dimension_numbers = #tpu.dot_dimension_numbers<[1], [0], [0], [1], [0, 0, 1, 1], [], []>, transpose_lhs_hint = false} : vector<256x1024xbf16>, vector<1024x1024xbf16>, vector<256x1024xf32> -> vector<256x1024xf32>
    %get3A_8 = arith.constant 0 : index
    %get3A_9 = arith.constant 0 : index
    %get3A_10 = arith.constant 0 : index
    %get3A_11 = vector.load %arg4[%get3A_8, %get3A_9, %get3A_10] : memref<1x1x1024xf32, #tpu.memory_space<vmem>>, vector<1x1x1024xf32>
    %get3A_12 = vector.shape_cast %get3A_11 : vector<1x1x1024xf32> to vector<1x1024xf32>
    %add3A = vector.broadcast %get3A_12 : vector<1x1024xf32> to vector<256x1024xf32>
    %add3A_13 = arith.addf %dot_general3A_7, %add3A : vector<256x1024xf32>
    %max3A = arith.constant 0.000000e+00 : f32
    %max3A_14 = vector.broadcast %max3A : f32 to vector<256x1024xf32>
    %max3A_15 = arith.maximumf %add3A_13, %max3A_14 : vector<256x1024xf32>
    %convert_element_type3A_16 = arith.truncf %max3A_15 : vector<256x1024xf32> to vector<256x1024xbf16>
    %get3A_17 = arith.constant 0 : index
    %get3A_18 = arith.constant 0 : index
    %get3A_19 = arith.constant 0 : index
    %get3A_20 = vector.load %arg5[%get3A_17, %get3A_18, %get3A_19] : memref<1x1024x1024xbf16, #tpu.memory_space<vmem>>, vector<1x1024x1024xbf16>
    %get3A_21 = vector.shape_cast %get3A_20 : vector<1x1024x1024xbf16> to vector<1024x1024xbf16>
    %dot_general3A_22 = arith.constant dense<0.000000e+00> : vector<256x1024xf32>
    %dot_general3A_23 = tpu.matmul %convert_element_type3A_16, %get3A_21, %dot_general3A_22 {dimension_numbers = #tpu.dot_dimension_numbers<[1], [0], [0], [1], [0, 0, 1, 1], [], []>, transpose_lhs_hint = false} : vector<256x1024xbf16>, vector<1024x1024xbf16>, vector<256x1024xf32> -> vector<256x1024xf32>
    %get3A_24 = arith.constant 0 : index
    %get3A_25 = arith.constant 0 : index
    %get3A_26 = arith.constant 0 : index
    %get3A_27 = vector.load %arg6[%get3A_24, %get3A_25, %get3A_26] : memref<1x1x1024xf32, #tpu.memory_space<vmem>>, vector<1x1x1024xf32>
    %get3A_28 = vector.shape_cast %get3A_27 : vector<1x1x1024xf32> to vector<1x1024xf32>
    %add3A_29 = vector.broadcast %get3A_28 : vector<1x1024xf32> to vector<256x1024xf32>
    %add3A_30 = arith.addf %dot_general3A_23, %add3A_29 : vector<256x1024xf32>
    %reshape3A_31 = vector.shape_cast %add3A_30 : vector<256x1024xf32> to vector<2048x128xf32>
    %swap3A = arith.constant 0 : index
    %swap3A_32 = arith.constant 0 : index
    %swap3A_33 = vector.load %arg7[%swap3A, %swap3A_32] : memref<2048x128xf32, #tpu.memory_space<vmem>>, vector<2048x128xf32>
    tpu.vector_store %arg7[%swap3A, %swap3A_32], %reshape3A_31 {strides = array<i32>} : memref<2048x128xf32, #tpu.memory_space<vmem>>, vector<2048x128xf32>,
    return
  }
  func.func @transform_0(%arg0: i32, %arg1: memref<23xi32, #tpu.memory_space<smem>>) -> (i32, i32) {
    %c0_i32 = arith.constant 0 : i32
    %c0_i32_0 = arith.constant 0 : i32
    return %arg0, %c0_i32 : i32, i32
  }
  func.func @transform_1(%arg0: i32, %arg1: memref<23xi32, #tpu.memory_space<smem>>) -> (i32, i32, i32) {
    %get3A = arith.index_cast %arg0 : i32 to index
    %get3A_0 = memref.load %arg1[%get3A] : memref<23xi32, #tpu.memory_space<smem>>
    %c0_i32 = arith.constant 0 : i32
    %c0_i32_1 = arith.constant 0 : i32
    %c0_i32_2 = arith.constant 0 : i32
    return %get3A_0, %c0_i32, %c0_i32_1 : i32, i32, i32
  }
  func.func @transform_2(%arg0: i32, %arg1: memref<23xi32, #tpu.memory_space<smem>>) -> (i32, i32, i32) {
    %get3A = arith.index_cast %arg0 : i32 to index
    %get3A_0 = memref.load %arg1[%get3A] : memref<23xi32, #tpu.memory_space<smem>>
    %c0_i32 = arith.constant 0 : i32
    %c0_i32_1 = arith.constant 0 : i32
    %c0_i32_2 = arith.constant 0 : i32
    return %get3A_0, %c0_i32, %c0_i32_1 : i32, i32, i32
  }
  func.func @transform_3(%arg0: i32, %arg1: memref<23xi32, #tpu.memory_space<smem>>) -> (i32, i32, i32) {
    %get3A = arith.index_cast %arg0 : i32 to index
    %get3A_0 = memref.load %arg1[%get3A] : memref<23xi32, #tpu.memory_space<smem>>
    %c0_i32 = arith.constant 0 : i32
    %c0_i32_1 = arith.constant 0 : i32
    %c0_i32_2 = arith.constant 0 : i32
    return %get3A_0, %c0_i32, %c0_i32_1 : i32, i32, i32
  }
  func.func @transform_4(%arg0: i32, %arg1: memref<23xi32, #tpu.memory_space<smem>>) -> (i32, i32, i32) {
    %get3A = arith.index_cast %arg0 : i32 to index
    %get3A_0 = memref.load %arg1[%get3A] : memref<23xi32, #tpu.memory_space<smem>>
    %c0_i32 = arith.constant 0 : i32
    %c0_i32_1 = arith.constant 0 : i32
    %c0_i32_2 = arith.constant 0 : i32
    return %get3A_0, %c0_i32, %c0_i32_1 : i32, i32, i32
  }
  func.func @transform_5(%arg0: i32, %arg1: memref<23xi32, #tpu.memory_space<smem>>) -> (i32, i32) {
    %c0_i32 = arith.constant 0 : i32
    %c0_i32_0 = arith.constant 0 : i32
    return %arg0, %c0_i32 : i32, i32
  }
}

module attributes {stable_mosaic.version = 14 : i64} {
  func.func @_e_body(%arg0: i32, %arg1: memref<2048x128xf32, #tpu.memory_space<vmem>>, %arg2: memref<2048x128xf32, #tpu.memory_space<vmem>>, %arg3: memref<2048x128xf32, #tpu.memory_space<vmem>>, %arg4: memref<2048x1xf32, #tpu.memory_space<vmem>>, %arg5: memref<2048x1xf32, #tpu.memory_space<vmem>>, %arg6: memref<2048x128xf32, #tpu.memory_space<vmem>>) attributes {dimension_semantics = [#tpu.dimension_semantics<arbitrary>], iteration_bounds = array<i64: 8>, scalar_prefetch = 0 : i64, scratch_operands = 0 : i64, tpu.core_type = #tpu.core_type<tc>, window_params = [{transform_indices = @transform_0, window_bounds = array<i64: 2048, 128>}, {transform_indices = @transform_1, window_bounds = array<i64: 2048, 128>}, {transform_indices = @transform_2, window_bounds = array<i64: 2048, 128>}, {transform_indices = @transform_3, window_bounds = array<i64: 2048, 1>}, {transform_indices = @transform_4, window_bounds = array<i64: 2048, 1>}, {transform_indices = @transform_5, window_bounds = array<i64: 2048, 128>}]} {
    %get3A = arith.constant 0 : index
    %get3A_0 = arith.constant 0 : index
    %get3A_1 = vector.load %arg1[%get3A, %get3A_0] : memref<2048x128xf32, #tpu.memory_space<vmem>>, vector<2048x128xf32>
    %get3A_2 = arith.constant 0 : index
    %get3A_3 = arith.constant 0 : index
    %get3A_4 = vector.load %arg4[%get3A_2, %get3A_3] : memref<2048x1xf32, #tpu.memory_space<vmem>>, vector<2048x1xf32>
    %get3A_5 = arith.constant 0 : index
    %get3A_6 = arith.constant 0 : index
    %get3A_7 = vector.load %arg2[%get3A_5, %get3A_6] : memref<2048x128xf32, #tpu.memory_space<vmem>>, vector<2048x128xf32>
    %mul3A = vector.broadcast %get3A_4 : vector<2048x1xf32> to vector<2048x128xf32>
    %mul3A_8 = arith.mulf %mul3A, %get3A_7 : vector<2048x128xf32>
    %add3A = arith.addf %get3A_1, %mul3A_8 : vector<2048x128xf32>
    %get3A_9 = arith.constant 0 : index
    %get3A_10 = arith.constant 0 : index
    %get3A_11 = vector.load %arg5[%get3A_9, %get3A_10] : memref<2048x1xf32, #tpu.memory_space<vmem>>, vector<2048x1xf32>
    %get3A_12 = arith.constant 0 : index
    %get3A_13 = arith.constant 0 : index
    %get3A_14 = vector.load %arg3[%get3A_12, %get3A_13] : memref<2048x128xf32, #tpu.memory_space<vmem>>, vector<2048x128xf32>
    %mul3A_15 = vector.broadcast %get3A_11 : vector<2048x1xf32> to vector<2048x128xf32>
    %mul3A_16 = arith.mulf %mul3A_15, %get3A_14 : vector<2048x128xf32>
    %add3A_17 = arith.addf %add3A, %mul3A_16 : vector<2048x128xf32>
    %swap3A = arith.constant 0 : index
    %swap3A_18 = arith.constant 0 : index
    %swap3A_19 = vector.load %arg6[%swap3A, %swap3A_18] : memref<2048x128xf32, #tpu.memory_space<vmem>>, vector<2048x128xf32>
    tpu.vector_store %arg6[%swap3A, %swap3A_18], %add3A_17 {strides = array<i32>} : memref<2048x128xf32, #tpu.memory_space<vmem>>, vector<2048x128xf32>,
    return
  }
  func.func @transform_0(%arg0: i32) -> (i32, i32) {
    %c0_i32 = arith.constant 0 : i32
    %c0_i32_0 = arith.constant 0 : i32
    return %arg0, %c0_i32 : i32, i32
  }
  func.func @transform_1(%arg0: i32) -> (i32, i32) {
    %c0_i32 = arith.constant 0 : i32
    %c0_i32_0 = arith.constant 0 : i32
    return %arg0, %c0_i32 : i32, i32
  }
  func.func @transform_2(%arg0: i32) -> (i32, i32) {
    %c0_i32 = arith.constant 0 : i32
    %c0_i32_0 = arith.constant 0 : i32
    return %arg0, %c0_i32 : i32, i32
  }
  func.func @transform_3(%arg0: i32) -> (i32, i32) {
    %c0_i32 = arith.constant 0 : i32
    %c0_i32_0 = arith.constant 0 : i32
    return %arg0, %c0_i32 : i32, i32
  }
  func.func @transform_4(%arg0: i32) -> (i32, i32) {
    %c0_i32 = arith.constant 0 : i32
    %c0_i32_0 = arith.constant 0 : i32
    return %arg0, %c0_i32 : i32, i32
  }
  func.func @transform_5(%arg0: i32) -> (i32, i32) {
    %c0_i32 = arith.constant 0 : i32
    %c0_i32_0 = arith.constant 0 : i32
    return %arg0, %c0_i32 : i32, i32
  }
}

</mosaic_0001>

<sc_bundles>
// kernel: kernel.10.cloned.1.call-start
scs
__scs_entry_jumppad:
0x0: {  	(pc) =	sbr.rel $0x88, $3  }
0x1: {  	(tag) =	ssettag $0x0;
	lr =	simm.s32 $0x1  }
0x2: {  	[smem:$0x3F96] =	sst lr;
	_ =	strace $0xD0000000  }
0x3: {  	_ = 	snop  }
0x4: {  	_ = 	snop  }
0x5: {  	_ = 	snop  }
0x6: {  	_ = 	snop  }
0x7: {  	_ = 	snop  }
__scs_overlays_trampoline_lowered:
0x8: {  	[smem:$0x3FA5] =	sst s0  }
0x9: {  	[smem:$0x3FA6] =	sst s1  }
0xa: {  	[smem:$0x3FA7] =	sst s2  }
0xb: {  	[smem:$0x3FA8] =	sst s3  }
0xc: {  	[smem:$0x3FA9] =	sst s4  }
0xd: {  	[smem:$0x3FAA] =	sst s5  }
0xe: {  	[smem:$0x3FAB] =	sst s6  }
0xf: {  	[smem:$0x3FAC] =	sst s7  }
0x10: {  	[smem:$0x3FAD] =	sst s8  }
0x11: {  	[smem:$0x3FAE] =	sst s9;
	s0 =	simm.s32 @!p0 $0x0  }
0x12: {  	s1 =	sld [smem:$0x3F94];
	s0 =	simm.s32 @p0 $0x1  }
0x13: {  	[smem:$0x3FAF] =	sst s0;
	s0 =	simm.s32 @!p1 $0x0  }
0x14: {  	s2 =	sld [smem:$0x3F93];
	s0 =	simm.s32 @p1 $0x1  }
0x15: {  	[smem:$0x3FB0] =	sst s0;
	s0 =	simm.s32 @!p2 $0x0  }
0x16: {  	s3 =	sld [smem:$0x3FDB];
	s0 =	simm.s32 @p2 $0x1  }
0x17: {  	s4 =	simm.s32 $0x1BF5;
	[smem:$0x3FB2] =	sst s0  }
0x18: {  	s0 =	sld [smem:$0x3F95];
	_ =	swait.ge [sflag:s4], $0x0  }
0x19: {  	s7 =	sld [smem:$0x3F96]  }
0x1a: {  	s8 =	sadd.s32 $0xFFFFE003, lr  }
0x1b: {  	s9 =	sadd.s32 $0xFFFFFEF7, lr;
	s5 =	simm.s32 $0xFFFFFFFF;
	p2 =	slt.u32 s8, $0xFFFFF086  }
0x1c: {  	p1 =	slt.u32 s9, $0xF7A;
	s5 =	simm.s32 @!p2 $0x0  }
0x1d: {  	s5 =	simm.s32 @p1 $0x1;
	p0 =	seq.s32 s7, s2  }
0x1e: {  	s7 =	smul.u32 @!p0 $0xF7A, s2;
	p2 =	seq.s32 @!p0 s5, $0x0  }
0x1f: {  	s9 =	smul.u32 $0xF7A, s1;
	s8 =	simm.s32 @!p0 $0x1BF5;
	p2 =	por !p2, p0  }
0x20: {  	[sflag:s8] =	ssyncset.s32 @!p0 $0xFFFFF086;
	s6 =	sadd.s32 @!p0 s3, s7;
	s7 =	simm.s32 @!p0 $0x108  }
0x21: {  	s3 =	sadd.s32 s3, s9;
	s6 =	sadd.s32 @!p0 $0x88, s6;
	s7 =	simm.s32 @p2 $0x1082  }
0x22: {  	[simem:s7], [sflag:s8] =	dma.local @!p0 [hbm:s6], $0xF7A  }
0x23: {  	s9 =	sor.u32 $0xD0000000, s2;
	s6 =	simm.s32 $0x108;
	_ =	swait.ge @!p0 [sflag:s8], $0x0  }
0x24: {  	s3 =	sadd.s32 $0x88, s3;
	s6 =	simm.s32 @!p1 $0x1082;
	[sflag:s4] =	ssyncset.s32 $0xFFFFF086  }
0x25: {  	[simem:s6], [sflag:s4] =	dma.local [hbm:s3], $0xF7A  }
0x26: {  	[smem:$0x3F96] =	sst s1;
	(tag) =	ssettag s2;
	_ =	strace s9  }
0x27: {  	s1 =	sld [smem:$0x3FA6]  }
0x28: {  	s2 =	sld [smem:$0x3FA7]  }
0x29: {  	s4 =	sld [smem:$0x3FA9]  }
0x2a: {  	p0 =	seq.s32 s5, $0x0;
	s5 =	sld [smem:$0x3FAA]  }
0x2b: {  	s6 =	sld [smem:$0x3FAB]  }
0x2c: {  	s7 =	sld [smem:$0x3FAC]  }
0x2d: {  	s3 =	simm.s32 $0x108;
	s8 =	sld [smem:$0x3FAD]  }
0x2e: {  	s3 =	simm.s32 @!p0 $0x1082;
	s9 =	sld [smem:$0x3FAE]  }
0x2f: {  	lr =	sadd.s32 s0, s3;
	s0 =	sld [smem:$0x3FA5]  }
0x30: {  	s3 =	sld [smem:$0x3FA8]  }
0x31: {  	[smem:$0x3FB1] =	sst s10  }
0x32: {  	s10 =	sld [smem:$0x3FAF];
	_ =	sdelay $0x3  }
0x33: {  	p0 =	seq.s32 s10, $0x1;
	s10 =	sld [smem:$0x3FB1];
	_ =	sdelay $0x3  }
0x34: {  	[smem:$0x3FB1] =	sst s10  }
0x35: {  	s10 =	sld [smem:$0x3FB0];
	_ =	sdelay $0x3  }
0x36: {  	p1 =	seq.s32 s10, $0x1;
	s10 =	sld [smem:$0x3FB1];
	_ =	sdelay $0x3  }
0x37: {  	[smem:$0x3FB1] =	sst s10  }
0x38: {  	s10 =	sld [smem:$0x3FB2]  }
0x39: {  	_ = 	snop;
	(pc) =	sbr.ind lr, $3  }
0x3a: {  	_ = 	snop  }
0x3b: {  	_ = 	snop  }
0x3c: {  	p2 =	seq.s32 s10, $0x1;
	s10 =	sld [smem:$0x3FB1]  }
0x3d: {  	_ =	shalt  }
0x3e: {  	_ =	shalt  }
0x3f: {  	_ =	shalt  }
0x40: {  	_ =	shalt  }
0x41: {  	_ =	shalt  }
0x42: {  	_ =	shalt  }
0x43: {  	_ =	shalt  }
0x44: {  	_ =	shalt  }
0x45: {  	_ =	shalt  }
0x46: {  	_ =	shalt  }
0x47: {  	_ =	shalt  }
0x48: {  	_ =	shalt  }
0x49: {  	_ =	shalt  }
0x4a: {  	_ =	shalt  }
0x4b: {  	_ =	shalt  }
0x4c: {  	_ =	shalt  }
0x4d: {  	_ =	shalt  }
0x4e: {  	_ =	shalt  }
0x4f: {  	_ =	shalt  }
0x50: {  	_ =	shalt  }
0x51: {  	_ =	shalt  }
0x52: {  	_ =	shalt  }
0x53: {  	_ =	shalt  }
0x54: {  	_ =	shalt  }
0x55: {  	_ =	shalt  }
0x56: {  	_ =	shalt  }
0x57: {  	_ =	shalt  }
0x58: {  	_ =	shalt  }
0x59: {  	_ =	shalt  }
0x5a: {  	_ =	shalt  }
0x5b: {  	_ =	shalt  }
0x5c: {  	_ =	shalt  }
0x5d: {  	_ =	shalt  }
0x5e: {  	_ =	shalt  }
0x5f: {  	_ =	shalt  }
0x60: {  	_ =	shalt  }
0x61: {  	_ =	shalt  }
0x62: {  	_ =	shalt  }
0x63: {  	_ =	shalt  }
0x64: {  	_ =	shalt  }
0x65: {  	_ =	shalt  }
0x66: {  	_ =	shalt  }
0x67: {  	_ =	shalt  }
0x68: {  	_ =	shalt  }
0x69: {  	_ =	shalt  }
0x6a: {  	_ =	shalt  }
0x6b: {  	_ =	shalt  }
0x6c: {  	_ =	shalt  }
0x6d: {  	_ =	shalt  }
0x6e: {  	_ =	shalt  }
0x6f: {  	_ =	shalt  }
0x70: {  	_ =	shalt  }
0x71: {  	_ =	shalt  }
0x72: {  	_ =	shalt  }
0x73: {  	_ =	shalt  }
0x74: {  	_ =	shalt  }
0x75: {  	_ =	shalt  }
0x76: {  	_ =	shalt  }
0x77: {  	_ =	shalt  }
0x78: {  	_ =	shalt  }
0x79: {  	_ =	shalt  }
0x7a: {  	_ =	shalt  }
0x7b: {  	_ =	shalt  }
0x7c: {  	_ =	shalt  }
0x7d: {  	_ =	shalt  }
0x7e: {  	_ =	shalt  }
0x7f: {  	_ =	shalt  }
0x80: {  	_ =	shalt  }
0x81: {  	_ =	shalt  }
0x82: {  	_ =	shalt  }
0x83: {  	_ =	shalt  }
0x84: {  	_ =	shalt  }
0x85: {  	_ =	shalt  }
0x86: {  	_ =	shalt  }
0x87: {  	_ =	shalt  }
.Lfunc_end0:
.L_simem_size_0:
called_computation.1_lowered:
.L_overlay_start_0:
0x88: {  	s2 =	sld [smem:$0x3FD9]  }
0x89: {  	s3 =	sld [smem:$0x3FFE];
	_ =	sdelay $0x1  }
0x8a: {  	s1 =	srdreg.scid  }
0x8b: {  	s0 =	sand.u32 $0x1, s1  }
0x8c: {  	s16 =	sshll.u32 s0, $0xA;
	s2 =	sadd.s32 s3, s2  }
0x8d: {  	s2 =	sadd.s32 s2, s16  }
0x8e: {  	[smem:$0x3FBD] =	sst s2  }
0x8f: {  	_ = 	snop  }
0x90: {  	(tm) =	ssettm $0x1  }
0x91: {  	s17 =	sld [smem:$0x3FFB];
	_ =	sdelay $0x3  }
0x92: {  	_ =	strace s17  }
0x93: {  	s2 =	sld [smem:$0x3FFC];
	_ =	sdelay $0x3  }
0x94: {  	_ =	strace s2  }
0x95: {  	s2 =	sld [smem:$0x3FFD];
	_ =	sdelay $0x3  }
0x96: {  	_ =	strace s2  }
0x97: {  	_ =	strace $0x8FFFFFFF  }
0x98: {  	s18 =	sld [smem:$0x3FDB];
	_ =	sdelay $0x1  }
0x99: {  	s19 =	simm.s32 $_scs_section_size  }
0x9a: {  	s4 =	simm.s32 $_size__tile_overlayer_lowered;
	s5 =	simm.s32 $_tile_overlayer_lowered  }
0x9b: {  	s22 =	simm.s32 $0x1BFF;
	s21 =	sshll.u32 s5, $0x1;
	s2 =	sadd.s32 s19, s18  }
0x9c: {  	s6 =	simm.s32 $0x0;
	s20 =	sshll.u32 s4, $0x1;
	s4 =	sadd.s32 s21, s2  }
0x9d: {  	[timem:s6], [sflag:s22] =	dma.local [hbm:s4], s20  }
0x9e: {  	_ =	swait.ge [sflag:s22], s20  }
0x9f: {  	s3 =	ssub.s32 $0x0, s20;
	[sflag:s22] =	ssyncset.done $0x0  }
0xa0: {  	[sflag:s22] =	ssyncadd.s32 s3;
	_ =	sdelay $0x1  }
0xa1: {  	s23 =	simm.s32 $0x1B8B  }
0xa2: {  	_ =	swait.ge [sflag:s23], $0x1  }
0xa3: {  	[sflag:s23] =	ssyncset.done $0x0  }
0xa4: {  	s25 =	simm.s32 $0x1B8E;
	s24 =	sld [smem:$0x3FFE];
	[sflag:s23] =	ssyncadd.s32 $0xFFFFFFFF  }
0xa5: {  	s26 =	simm.s32 $execute0_lowered;
	[smem:$0x3FD2] =	sst s25  }
0xa6: {  	s4 =	sshll.u32 s26, $0x1;
	_ =	strace $0x80000049;
	[dreg:$0x1] =	wrdreg $0xFFFFFFFF  }
0xa7: {  	s28 =	simm.s32 $_size_execute0_lowered;
	s2 =	sadd.s32 s2, s4;
	[dreg:$0x0] =	wrdreg $0x0  }
0xa8: {  	s4 =	sshll.u32 s28, $0x1;
	[dreg:$0x2] =	wrdreg s2  }
0xa9: {  	[dreg:$0x3] =	wrdreg s4  }
0xaa: {  	[dreg:$0x4] =	wrdreg $0xC0  }
0xab: {  	_ =	task [dreg:s6], $0x5FFFF  }
0xac: {  	[dreg:$0x1] =	wrdreg $0xFFFFFFFF  }
0xad: {  	[dreg:$0x0] =	wrdreg $0x60  }
0xae: {  	[dreg:$0x2] =	wrdreg s24  }
0xaf: {  	[dreg:$0x3] =	wrdreg $0x9  }
0xb0: {  	_ =	task.clear_ibuf [dreg:s6], $0x4FFFF;
	_ =	strace $0x90000049  }
0xb1: {  	s29 =	simm.s32 $0x9;
	_ =	strace $0x8000004B  }
0xb2: {  	_ =	swait.ge [sflag:s29], $0x1  }
0xb3: {  	[sflag:s29] =	ssyncadd.s32 $0xFFFFFFFF  }
0xb4: {  	_ =	strace $0x9000004B  }
0xb5: {  	_ =	sfence  }
0xb6: {  	s30 =	sld [smem:$0x0];
	_ =	sdelay $0x2  }
0xb7: {  	s31 =	sshll.u32 s1, $0xD;
	s1 =	sshrl.u32 s1, $0x2  }
0xb8: {  	s3 =	sand.u32 $0x4000, s31;
	s1 =	sadd.s32 s1, s30  }
0xb9: {  	s0 =	sor.u32 s3, s0;
	s1 =	sshll.u32 s1, $0x11  }
0xba: {  	s0 =	sor.u32 s1, s0  }
0xbb: {  	s0 =	sadd.s32 $0x8F2B, s0  }
0xbc: {  	[sflag:s0] =	ssyncadd.remote.s32 $0x1  }
0xbd: {  	_ =	sfence.sel $0xFFFF  }
0xbe: {  	[dreg:$0x0] =	wrdreg $0xFFFFFFFF;
	(pc) =	sbr.abs _section_cstart, $3  }
0xbf: {  	[dreg:$0x1] =	wrdreg $0xFFFFFFFF  }
0xc0: {  	_ =	task.clear_ibuf [dreg:s6], $0x2FFFF;
	_ =	strace $0x9FFFFFFF  }
0xc1: {  	(tm) =	ssettm $0x7FFFFFFF  }
tec
execute0_lowered:
.L_overlay_start_1:
0x0: {  	(tag) =	ssettag $0x1  }
0x1: {  	s15 =	rddreg [dreg:$0x0];
	s2 =	srdreg.scid  }
0x2: {  	s0 =	rddreg [dreg:$0x1];
	s1 =	stileid.u32;
	s19 =	sand.u32 $0x1, s2  }
0x3: {  	s2 =	simm.s32 $0x0;
	s4 =	sshll.u32 s1, $0x7;
	s3 =	sshll.u32 s19, $0x6  }
0x4: {  	s12 =	sadd.s32 $0x41600, s15;
	[smem:$0x7FF] =	sst s2;
	s16 =	sor.u32 s3, s4  }
0x5: {  	_ =	strace $0x8000004A;
	s3 =	simm.s32 $0x2;
	s4 =	sadd.s32 s12, s16  }
0x6: {  	[tilespmem:s2], [sflag:$0x2] =	stream.linear.gather [hbm4b:s4+s2], $0x80, $0x38;
	[tilespmem:$0x10080] =	vst v63  }
0x7: {  	_ =	swait.ge [sflag:s3], $0x80  }
0x8: {  	s6 =	simm.s32 $0x80;
	[sflag:s3] =	ssyncset.done $0x0  }
0x9: {  	s7 =	simm.s32 $0x1;
	s5 =	sadd.s32 $0x17A600, s15;
	[sflag:s3] =	ssyncadd.s32 $0xFFFFFF80  }
0xa: {  	[tilespmem:s6], [sflag:$0x1] =	stream.indirect.gather [hbm4b:s5+s6], $0x80, s2, s6, $0xb8;
	[tilespmem:$0x10080] =	vst v63  }
0xb: {  	_ =	swait.ge [sflag:s7], $0x4000  }
0xc: {  	s17 =	sor.u32 $0x10, s16;
	[sflag:s7] =	ssyncset.done $0x0  }
0xd: {  	s8 =	sadd.s32 s12, s17;
	[sflag:s7] =	ssyncadd.s32 $0xFFFFC000  }
0xe: {  	[tilespmem:s2], [sflag:$0x2] =	stream.linear.gather [hbm4b:s8+s2], $0x80, $0x38;
	[tilespmem:$0x10080] =	vst v63  }
0xf: {  	_ =	swait.ge [sflag:s3], $0x80  }
0x10: {  	[sflag:s3] =	ssyncset.done $0x0  }
0x11: {  	s9 =	simm.s32 $0x4080;
	[sflag:s3] =	ssyncadd.s32 $0xFFFFFF80  }
0x12: {  	[tilespmem:s9], [sflag:$0x1] =	stream.indirect.gather [hbm4b:s5+s6], $0x80, s2, s6, $0xb8;
	[tilespmem:$0x10080] =	vst v63  }
0x13: {  	_ =	swait.ge [sflag:s7], $0x4000  }
0x14: {  	s18 =	sor.u32 $0x20, s16;
	[sflag:s7] =	ssyncset.done $0x0  }
0x15: {  	s10 =	sadd.s32 s12, s18;
	[sflag:s7] =	ssyncadd.s32 $0xFFFFC000  }
0x16: {  	[tilespmem:s2], [sflag:$0x2] =	stream.linear.gather [hbm4b:s10+s2], $0x80, $0x38;
	[tilespmem:$0x10080] =	vst v63  }
0x17: {  	_ =	swait.ge [sflag:s3], $0x80  }
0x18: {  	[sflag:s3] =	ssyncset.done $0x0  }
0x19: {  	s11 =	simm.s32 $0x8080;
	[sflag:s3] =	ssyncadd.s32 $0xFFFFFF80  }
0x1a: {  	[tilespmem:s11], [sflag:$0x1] =	stream.indirect.gather [hbm4b:s5+s6], $0x80, s2, s6, $0xb8;
	[tilespmem:$0x10080] =	vst v63  }
0x1b: {  	_ =	swait.ge [sflag:s7], $0x4000  }
0x1c: {  	s20 =	sor.u32 $0x30, s16;
	[sflag:s7] =	ssyncset.done $0x0  }
0x1d: {  	s12 =	sadd.s32 s12, s20;
	[sflag:s7] =	ssyncadd.s32 $0xFFFFC000  }
0x1e: {  	[tilespmem:s2], [sflag:$0x2] =	stream.linear.gather [hbm4b:s12+s2], $0x80, $0x38;
	[tilespmem:$0x10080] =	vst v63  }
0x1f: {  	_ =	swait.ge [sflag:s3], $0x80  }
0x20: {  	s13 =	simm.s32 $0xC080;
	[sflag:s3] =	ssyncset.done $0x0  }
0x21: {  	s14 =	sshll.u32 s1, $0xE;
	s21 =	sshll.u32 s19, $0xD;
	[sflag:s3] =	ssyncadd.s32 $0xFFFFFF80  }
0x22: {  	[tilespmem:s13], [sflag:$0x1] =	stream.indirect.gather [hbm4b:s5+s6], $0x80, s2, s6, $0xb8;
	[tilespmem:$0x10080] =	vst v63  }
0x23: {  	s14 =	sor.u32 s21, s14;
	_ =	swait.ge [sflag:s7], $0x4000  }
0x24: {  	s21 =	sadd.s32 s14, s15;
	[sflag:s7] =	ssyncset.done $0x0  }
0x25: {  	s14 =	sadd.s32 $0x42600, s21;
	[sflag:s7] =	ssyncadd.s32 $0xFFFFC000  }
0x26: {  	[hbm4b:s14+s2] =	stream.linear.scatter [tilespmem:s6], [sflag:$0x2], $0x10000, $0x38;
	[tilespmem:$0x10080] =	vst v63  }
0x27: {  	_ =	swait.ge [sflag:s3], $0x10000  }
0x28: {  	s22 =	sadd.s32 $0x41E00, s15;
	[sflag:s3] =	ssyncset.done $0x0  }
0x29: {  	s15 =	sadd.s32 s22, s16;
	[sflag:s3] =	ssyncadd.s32 $0xFFFF0000  }
0x2a: {  	[tilespmem:s2], [sflag:$0x2] =	stream.linear.gather [hbm4b:s15+s2], $0x80, $0x38;
	[tilespmem:$0x10080] =	vst v63  }
0x2b: {  	_ =	swait.ge [sflag:s3], $0x80  }
0x2c: {  	[sflag:s3] =	ssyncset.done $0x0  }
0x2d: {  	[sflag:s3] =	ssyncadd.s32 $0xFFFFFF80  }
0x2e: {  	[tilespmem:s6], [sflag:$0x1] =	stream.indirect.gather [hbm4b:s5+s6], $0x80, s2, s6, $0xb8;
	[tilespmem:$0x10080] =	vst v63  }
0x2f: {  	_ =	swait.ge [sflag:s7], $0x4000  }
0x30: {  	[sflag:s7] =	ssyncset.done $0x0  }
0x31: {  	s16 =	sadd.s32 s22, s17;
	[sflag:s7] =	ssyncadd.s32 $0xFFFFC000  }
0x32: {  	[tilespmem:s2], [sflag:$0x2] =	stream.linear.gather [hbm4b:s16+s2], $0x80, $0x38;
	[tilespmem:$0x10080] =	vst v63  }
0x33: {  	_ =	swait.ge [sflag:s3], $0x80  }
0x34: {  	[sflag:s3] =	ssyncset.done $0x0  }
0x35: {  	[sflag:s3] =	ssyncadd.s32 $0xFFFFFF80  }
0x36: {  	[tilespmem:s9], [sflag:$0x1] =	stream.indirect.gather [hbm4b:s5+s6], $0x80, s2, s6, $0xb8;
	[tilespmem:$0x10080] =	vst v63  }
0x37: {  	_ =	swait.ge [sflag:s7], $0x4000  }
0x38: {  	[sflag:s7] =	ssyncset.done $0x0  }
0x39: {  	s17 =	sadd.s32 s22, s18;
	[sflag:s7] =	ssyncadd.s32 $0xFFFFC000  }
0x3a: {  	[tilespmem:s2], [sflag:$0x2] =	stream.linear.gather [hbm4b:s17+s2], $0x80, $0x38;
	[tilespmem:$0x10080] =	vst v63  }
0x3b: {  	_ =	swait.ge [sflag:s3], $0x80  }
0x3c: {  	[sflag:s3] =	ssyncset.done $0x0  }
0x3d: {  	[sflag:s3] =	ssyncadd.s32 $0xFFFFFF80  }
0x3e: {  	[tilespmem:s11], [sflag:$0x1] =	stream.indirect.gather [hbm4b:s5+s6], $0x80, s2, s6, $0xb8;
	[tilespmem:$0x10080] =	vst v63  }
0x3f: {  	_ =	swait.ge [sflag:s7], $0x4000  }
0x40: {  	[sflag:s7] =	ssyncset.done $0x0  }
0x41: {  	s19 =	ssub.s32 $0x2, s19;
	s18 =	sadd.s32 s22, s20;
	[sflag:s7] =	ssyncadd.s32 $0xFFFFC000  }
0x42: {  	[tilespmem:s2], [sflag:$0x2] =	stream.linear.gather [hbm4b:s18+s2], $0x80, $0x38;
	[tilespmem:$0x10080] =	vst v63  }
0x43: {  	s31 =	sshrl.u32 s19, $0x1;
	_ =	swait.ge [sflag:s3], $0x80  }
0x44: {  	s20 =	ssub.s32 s19, s31;
	[sflag:s3] =	ssyncset.done $0x0  }
0x45: {  	s20 =	smax.u32 s20, $0x1;
	[sflag:s3] =	ssyncadd.s32 $0xFFFFFF80  }
0x46: {  	[tilespmem:s13], [sflag:$0x1] =	stream.indirect.gather [hbm4b:s5+s6], $0x80, s2, s6, $0xb8;
	[tilespmem:$0x10080] =	vst v63  }
0x47: {  	p0 =	sne.s32 s20, $0x1;
	_ =	swait.ge [sflag:s7], $0x4000  }
.Ltmp0:
0x48: {  	[sflag:s7] =	ssyncset.done $0x0;
	(pc) =	sbr.rel @!p0 .LBB2_2-.Ltmp0, $4  }
0x49: {  	s19 =	sadd.s32 $0x82600, s21;
	[sflag:s7] =	ssyncadd.s32 $0xFFFFC000  }
0x4a: {  	[hbm4b:s19+s2] =	stream.linear.scatter [tilespmem:s6], [sflag:$0x2], $0x10000, $0x38;
	[tilespmem:$0x10080] =	vst v63  }
0x4b: {  	_ =	swait.ge [sflag:s3], $0x10000  }
0x4c: {  	s20 =	sadd.s32 $0xFFFFFFFF, s20;
	[sflag:s3] =	ssyncset.done $0x0  }
.LBB2_1:
0x4d: {  	p0 =	sne.s32 s20, $0x1;
	s20 =	sadd.s32 $0xFFFFFFFF, s20;
	[sflag:s3] =	ssyncadd.s32 $0xFFFF0000  }
0x4e: {  	[tilespmem:s2], [sflag:$0x2] =	stream.linear.gather [hbm4b:s4+s2], $0x80, $0x38;
	[tilespmem:$0x10080] =	vst v63  }
0x4f: {  	_ =	swait.ge [sflag:s3], $0x80  }
0x50: {  	[sflag:s3] =	ssyncset.done $0x0  }
0x51: {  	[sflag:s3] =	ssyncadd.s32 $0xFFFFFF80  }
0x52: {  	[tilespmem:s6], [sflag:$0x1] =	stream.indirect.gather [hbm4b:s5+s6], $0x80, s2, s6, $0xb8;
	[tilespmem:$0x10080] =	vst v63  }
0x53: {  	_ =	swait.ge [sflag:s7], $0x4000  }
0x54: {  	[sflag:s7] =	ssyncset.done $0x0  }
0x55: {  	[sflag:s7] =	ssyncadd.s32 $0xFFFFC000  }
0x56: {  	[tilespmem:s2], [sflag:$0x2] =	stream.linear.gather [hbm4b:s8+s2], $0x80, $0x38;
	[tilespmem:$0x10080] =	vst v63  }
0x57: {  	_ =	swait.ge [sflag:s3], $0x80  }
0x58: {  	[sflag:s3] =	ssyncset.done $0x0  }
0x59: {  	[sflag:s3] =	ssyncadd.s32 $0xFFFFFF80  }
0x5a: {  	[tilespmem:s9], [sflag:$0x1] =	stream.indirect.gather [hbm4b:s5+s6], $0x80, s2, s6, $0xb8;
	[tilespmem:$0x10080] =	vst v63  }
0x5b: {  	_ =	swait.ge [sflag:s7], $0x4000  }
0x5c: {  	[sflag:s7] =	ssyncset.done $0x0  }
0x5d: {  	[sflag:s7] =	ssyncadd.s32 $0xFFFFC000  }
0x5e: {  	[tilespmem:s2], [sflag:$0x2] =	stream.linear.gather [hbm4b:s10+s2], $0x80, $0x38;
	[tilespmem:$0x10080] =	vst v63  }
0x5f: {  	_ =	swait.ge [sflag:s3], $0x80  }
0x60: {  	[sflag:s3] =	ssyncset.done $0x0  }
0x61: {  	[sflag:s3] =	ssyncadd.s32 $0xFFFFFF80  }
0x62: {  	[tilespmem:s11], [sflag:$0x1] =	stream.indirect.gather [hbm4b:s5+s6], $0x80, s2, s6, $0xb8;
	[tilespmem:$0x10080] =	vst v63  }
0x63: {  	_ =	swait.ge [sflag:s7], $0x4000  }
0x64: {  	[sflag:s7] =	ssyncset.done $0x0  }
0x65: {  	[sflag:s7] =	ssyncadd.s32 $0xFFFFC000  }
0x66: {  	[tilespmem:s2], [sflag:$0x2] =	stream.linear.gather [hbm4b:s12+s2], $0x80, $0x38;
	[tilespmem:$0x10080] =	vst v63  }
0x67: {  	_ =	swait.ge [sflag:s3], $0x80  }
0x68: {  	[sflag:s3] =	ssyncset.done $0x0  }
0x69: {  	[sflag:s3] =	ssyncadd.s32 $0xFFFFFF80  }
0x6a: {  	[tilespmem:s13], [sflag:$0x1] =	stream.indirect.gather [hbm4b:s5+s6], $0x80, s2, s6, $0xb8;
	[tilespmem:$0x10080] =	vst v63  }
0x6b: {  	_ =	swait.ge [sflag:s7], $0x4000  }
0x6c: {  	[sflag:s7] =	ssyncset.done $0x0  }
0x6d: {  	[sflag:s7] =	ssyncadd.s32 $0xFFFFC000  }
0x6e: {  	[hbm4b:s14+s2] =	stream.linear.scatter [tilespmem:s6], [sflag:$0x2], $0x10000, $0x38;
	[tilespmem:$0x10080] =	vst v63  }
0x6f: {  	_ =	swait.ge [sflag:s3], $0x10000  }
0x70: {  	[sflag:s3] =	ssyncset.done $0x0  }
0x71: {  	[sflag:s3] =	ssyncadd.s32 $0xFFFF0000  }
0x72: {  	[tilespmem:s2], [sflag:$0x2] =	stream.linear.gather [hbm4b:s15+s2], $0x80, $0x38;
	[tilespmem:$0x10080] =	vst v63  }
0x73: {  	_ =	swait.ge [sflag:s3], $0x80  }
0x74: {  	[sflag:s3] =	ssyncset.done $0x0  }
0x75: {  	[sflag:s3] =	ssyncadd.s32 $0xFFFFFF80  }
0x76: {  	[tilespmem:s6], [sflag:$0x1] =	stream.indirect.gather [hbm4b:s5+s6], $0x80, s2, s6, $0xb8;
	[tilespmem:$0x10080] =	vst v63  }
0x77: {  	_ =	swait.ge [sflag:s7], $0x4000  }
0x78: {  	[sflag:s7] =	ssyncset.done $0x0  }
0x79: {  	[sflag:s7] =	ssyncadd.s32 $0xFFFFC000  }
0x7a: {  	[tilespmem:s2], [sflag:$0x2] =	stream.linear.gather [hbm4b:s16+s2], $0x80, $0x38;
	[tilespmem:$0x10080] =	vst v63  }
0x7b: {  	_ =	swait.ge [sflag:s3], $0x80  }
0x7c: {  	[sflag:s3] =	ssyncset.done $0x0  }
0x7d: {  	[sflag:s3] =	ssyncadd.s32 $0xFFFFFF80  }
0x7e: {  	[tilespmem:s9], [sflag:$0x1] =	stream.indirect.gather [hbm4b:s5+s6], $0x80, s2, s6, $0xb8;
	[tilespmem:$0x10080] =	vst v63  }
0x7f: {  	_ =	swait.ge [sflag:s7], $0x4000  }
0x80: {  	[sflag:s7] =	ssyncset.done $0x0  }
0x81: {  	[sflag:s7] =	ssyncadd.s32 $0xFFFFC000  }
0x82: {  	[tilespmem:s2], [sflag:$0x2] =	stream.linear.gather [hbm4b:s17+s2], $0x80, $0x38;
	[tilespmem:$0x10080] =	vst v63  }
0x83: {  	_ =	swait.ge [sflag:s3], $0x80  }
0x84: {  	[sflag:s3] =	ssyncset.done $0x0  }
0x85: {  	[sflag:s3] =	ssyncadd.s32 $0xFFFFFF80  }
0x86: {  	[tilespmem:s11], [sflag:$0x1] =	stream.indirect.gather [hbm4b:s5+s6], $0x80, s2, s6, $0xb8;
	[tilespmem:$0x10080] =	vst v63  }
0x87: {  	_ =	swait.ge [sflag:s7], $0x4000  }
0x88: {  	[sflag:s7] =	ssyncset.done $0x0  }
0x89: {  	[sflag:s7] =	ssyncadd.s32 $0xFFFFC000  }
0x8a: {  	[tilespmem:s2], [sflag:$0x2] =	stream.linear.gather [hbm4b:s18+s2], $0x80, $0x38;
	[tilespmem:$0x10080] =	vst v63  }
0x8b: {  	_ =	swait.ge [sflag:s3], $0x80  }
0x8c: {  	[sflag:s3] =	ssyncset.done $0x0  }
0x8d: {  	[sflag:s3] =	ssyncadd.s32 $0xFFFFFF80  }
0x8e: {  	[tilespmem:s13], [sflag:$0x1] =	stream.indirect.gather [hbm4b:s5+s6], $0x80, s2, s6, $0xb8;
	[tilespmem:$0x10080] =	vst v63  }
0x8f: {  	_ =	swait.ge [sflag:s7], $0x4000  }
.Ltmp1:
0x90: {  	[sflag:s7] =	ssyncset.done $0x0;
	(pc) =	sbr.rel @p0 .LBB2_1-.Ltmp1, $4  }
0x91: {  	[sflag:s7] =	ssyncadd.s32 $0xFFFFC000  }
0x92: {  	[hbm4b:s19+s2] =	stream.linear.scatter [tilespmem:s6], [sflag:$0x2], $0x10000, $0x38;
	[tilespmem:$0x10080] =	vst v63  }
0x93: {  	_ =	swait.ge [sflag:s3], $0x10000  }
0x94: {  	[sflag:s3] =	ssyncset.done $0x0  }
.LBB2_2:
0x95: {  	[sflag:s3] =	ssyncadd.s32 $0xFFFF0000  }
0x96: {  	_ =	sfence.sel $0x180000  }
0x97: {  	[bflag:$0x0] =	sbarrier.arrive $0xFFFF  }
0x98: {  	p0 =	sne.s32 s1, $0x0;
	_ =	strace $0x9000004A  }
0x99: {  	s0 =	sadd.s32 @!p0 $0x100000, s0;
	[bflag:$0x2] =	sbarrier.arrive $0xFFFF  }
0x9a: {  	[sflag:s0] =	ssyncadd.tile.s32 @!p0 $0x1;
	_ =	shalt  }
.Lfunc_end2:
_tile_overlayer_lowered:
.L_overlay_start_2:
0x9b: {  	(tag) =	ssettag $0x2  }
0x9c: {  	s0 =	rddreg [dreg:$0x0];
	s2 =	stileid.u32  }
0x9d: {  	s1 =	rddreg [dreg:$0x1];
	p0 =	sne.s32 s2, $0x0  }
0x9e: {  	s3 =	rddreg [dreg:$0x2];
	[bflag:$0x3] =	sbarrier.arrive $0xFFFF;
	s2 =	simm.s32 @!p0 $0x1C02  }
0x9f: {  	[timem:s3], [sflag:s2] =	dma.local @!p0 [hbm:s0], s1  }
0xa0: {  	s0 =	simm.s32 @!p0 $0x2  }
0xa1: {  	_ =	swait.ge @!p0 [sflag:s0], s1  }
0xa2: {  	s1 =	ssub.s32 @!p0 $0x0, s1;
	[sflag:s0] =	ssyncset.done @!p0 $0x0  }
0xa3: {  	[sflag:s0] =	ssyncadd.s32 @!p0 s1  }
0xa4: {  	[bflag:$0x3] =	sbarrier.arrive $0xFFFF  }
0xa5: {  	_ =	shalt  }

// kernel: kernel.7.cloned.1.call-start
scs
__scs_entry_jumppad:
0x0: {  	(pc) =	sbr.rel $0x88, $3  }
0x1: {  	(tag) =	ssettag $0x0;
	lr =	simm.s32 $0x1  }
0x2: {  	[smem:$0x3F96] =	sst lr;
	_ =	strace $0xD0000000  }
0x3: {  	_ = 	snop  }
0x4: {  	_ = 	snop  }
0x5: {  	_ = 	snop  }
0x6: {  	_ = 	snop  }
0x7: {  	_ = 	snop  }
__scs_overlays_trampoline_lowered:
0x8: {  	[smem:$0x3FA5] =	sst s0  }
0x9: {  	[smem:$0x3FA6] =	sst s1  }
0xa: {  	[smem:$0x3FA7] =	sst s2  }
0xb: {  	[smem:$0x3FA8] =	sst s3  }
0xc: {  	[smem:$0x3FA9] =	sst s4  }
0xd: {  	[smem:$0x3FAA] =	sst s5  }
0xe: {  	[smem:$0x3FAB] =	sst s6  }
0xf: {  	[smem:$0x3FAC] =	sst s7  }
0x10: {  	[smem:$0x3FAD] =	sst s8  }
0x11: {  	[smem:$0x3FAE] =	sst s9;
	s0 =	simm.s32 @!p0 $0x0  }
0x12: {  	s1 =	sld [smem:$0x3F94];
	s0 =	simm.s32 @p0 $0x1  }
0x13: {  	[smem:$0x3FAF] =	sst s0;
	s0 =	simm.s32 @!p1 $0x0  }
0x14: {  	s2 =	sld [smem:$0x3F93];
	s0 =	simm.s32 @p1 $0x1  }
0x15: {  	[smem:$0x3FB0] =	sst s0;
	s0 =	simm.s32 @!p2 $0x0  }
0x16: {  	s3 =	sld [smem:$0x3FDB];
	s0 =	simm.s32 @p2 $0x1  }
0x17: {  	s4 =	simm.s32 $0x1BF5;
	[smem:$0x3FB2] =	sst s0  }
0x18: {  	s0 =	sld [smem:$0x3F95];
	_ =	swait.ge [sflag:s4], $0x0  }
0x19: {  	s7 =	sld [smem:$0x3F96]  }
0x1a: {  	s8 =	sadd.s32 $0xFFFFE003, lr  }
0x1b: {  	s9 =	sadd.s32 $0xFFFFFEF7, lr;
	s5 =	simm.s32 $0xFFFFFFFF;
	p2 =	slt.u32 s8, $0xFFFFF086  }
0x1c: {  	p1 =	slt.u32 s9, $0xF7A;
	s5 =	simm.s32 @!p2 $0x0  }
0x1d: {  	s5 =	simm.s32 @p1 $0x1;
	p0 =	seq.s32 s7, s2  }
0x1e: {  	s7 =	smul.u32 @!p0 $0xF7A, s2;
	p2 =	seq.s32 @!p0 s5, $0x0  }
0x1f: {  	s9 =	smul.u32 $0xF7A, s1;
	s8 =	simm.s32 @!p0 $0x1BF5;
	p2 =	por !p2, p0  }
0x20: {  	[sflag:s8] =	ssyncset.s32 @!p0 $0xFFFFF086;
	s6 =	sadd.s32 @!p0 s3, s7;
	s7 =	simm.s32 @!p0 $0x108  }
0x21: {  	s3 =	sadd.s32 s3, s9;
	s6 =	sadd.s32 @!p0 $0x88, s6;
	s7 =	simm.s32 @p2 $0x1082  }
0x22: {  	[simem:s7], [sflag:s8] =	dma.local @!p0 [hbm:s6], $0xF7A  }
0x23: {  	s9 =	sor.u32 $0xD0000000, s2;
	s6 =	simm.s32 $0x108;
	_ =	swait.ge @!p0 [sflag:s8], $0x0  }
0x24: {  	s3 =	sadd.s32 $0x88, s3;
	s6 =	simm.s32 @!p1 $0x1082;
	[sflag:s4] =	ssyncset.s32 $0xFFFFF086  }
0x25: {  	[simem:s6], [sflag:s4] =	dma.local [hbm:s3], $0xF7A  }
0x26: {  	[smem:$0x3F96] =	sst s1;
	(tag) =	ssettag s2;
	_ =	strace s9  }
0x27: {  	s1 =	sld [smem:$0x3FA6]  }
0x28: {  	s2 =	sld [smem:$0x3FA7]  }
0x29: {  	s4 =	sld [smem:$0x3FA9]  }
0x2a: {  	p0 =	seq.s32 s5, $0x0;
	s5 =	sld [smem:$0x3FAA]  }
0x2b: {  	s6 =	sld [smem:$0x3FAB]  }
0x2c: {  	s7 =	sld [smem:$0x3FAC]  }
0x2d: {  	s3 =	simm.s32 $0x108;
	s8 =	sld [smem:$0x3FAD]  }
0x2e: {  	s3 =	simm.s32 @!p0 $0x1082;
	s9 =	sld [smem:$0x3FAE]  }
0x2f: {  	lr =	sadd.s32 s0, s3;
	s0 =	sld [smem:$0x3FA5]  }
0x30: {  	s3 =	sld [smem:$0x3FA8]  }
0x31: {  	[smem:$0x3FB1] =	sst s10  }
0x32: {  	s10 =	sld [smem:$0x3FAF];
	_ =	sdelay $0x3  }
0x33: {  	p0 =	seq.s32 s10, $0x1;
	s10 =	sld [smem:$0x3FB1];
	_ =	sdelay $0x3  }
0x34: {  	[smem:$0x3FB1] =	sst s10  }
0x35: {  	s10 =	sld [smem:$0x3FB0];
	_ =	sdelay $0x3  }
0x36: {  	p1 =	seq.s32 s10, $0x1;
	s10 =	sld [smem:$0x3FB1];
	_ =	sdelay $0x3  }
0x37: {  	[smem:$0x3FB1] =	sst s10  }
0x38: {  	s10 =	sld [smem:$0x3FB2]  }
0x39: {  	_ = 	snop;
	(pc) =	sbr.ind lr, $3  }
0x3a: {  	_ = 	snop  }
0x3b: {  	_ = 	snop  }
0x3c: {  	p2 =	seq.s32 s10, $0x1;
	s10 =	sld [smem:$0x3FB1]  }
0x3d: {  	_ =	shalt  }
0x3e: {  	_ =	shalt  }
0x3f: {  	_ =	shalt  }
0x40: {  	_ =	shalt  }
0x41: {  	_ =	shalt  }
0x42: {  	_ =	shalt  }
0x43: {  	_ =	shalt  }
0x44: {  	_ =	shalt  }
0x45: {  	_ =	shalt  }
0x46: {  	_ =	shalt  }
0x47: {  	_ =	shalt  }
0x48: {  	_ =	shalt  }
0x49: {  	_ =	shalt  }
0x4a: {  	_ =	shalt  }
0x4b: {  	_ =	shalt  }
0x4c: {  	_ =	shalt  }
0x4d: {  	_ =	shalt  }
0x4e: {  	_ =	shalt  }
0x4f: {  	_ =	shalt  }
0x50: {  	_ =	shalt  }
0x51: {  	_ =	shalt  }
0x52: {  	_ =	shalt  }
0x53: {  	_ =	shalt  }
0x54: {  	_ =	shalt  }
0x55: {  	_ =	shalt  }
0x56: {  	_ =	shalt  }
0x57: {  	_ =	shalt  }
0x58: {  	_ =	shalt  }
0x59: {  	_ =	shalt  }
0x5a: {  	_ =	shalt  }
0x5b: {  	_ =	shalt  }
0x5c: {  	_ =	shalt  }
0x5d: {  	_ =	shalt  }
0x5e: {  	_ =	shalt  }
0x5f: {  	_ =	shalt  }
0x60: {  	_ =	shalt  }
0x61: {  	_ =	shalt  }
0x62: {  	_ =	shalt  }
0x63: {  	_ =	shalt  }
0x64: {  	_ =	shalt  }
0x65: {  	_ =	shalt  }
0x66: {  	_ =	shalt  }
0x67: {  	_ =	shalt  }
0x68: {  	_ =	shalt  }
0x69: {  	_ =	shalt  }
0x6a: {  	_ =	shalt  }
0x6b: {  	_ =	shalt  }
0x6c: {  	_ =	shalt  }
0x6d: {  	_ =	shalt  }
0x6e: {  	_ =	shalt  }
0x6f: {  	_ =	shalt  }
0x70: {  	_ =	shalt  }
0x71: {  	_ =	shalt  }
0x72: {  	_ =	shalt  }
0x73: {  	_ =	shalt  }
0x74: {  	_ =	shalt  }
0x75: {  	_ =	shalt  }
0x76: {  	_ =	shalt  }
0x77: {  	_ =	shalt  }
0x78: {  	_ =	shalt  }
0x79: {  	_ =	shalt  }
0x7a: {  	_ =	shalt  }
0x7b: {  	_ =	shalt  }
0x7c: {  	_ =	shalt  }
0x7d: {  	_ =	shalt  }
0x7e: {  	_ =	shalt  }
0x7f: {  	_ =	shalt  }
0x80: {  	_ =	shalt  }
0x81: {  	_ =	shalt  }
0x82: {  	_ =	shalt  }
0x83: {  	_ =	shalt  }
0x84: {  	_ =	shalt  }
0x85: {  	_ =	shalt  }
0x86: {  	_ =	shalt  }
0x87: {  	_ =	shalt  }
.Lfunc_end0:
.L_simem_size_0:
called_computation_lowered:
.L_overlay_start_0:
0x88: {  	s2 =	sld [smem:$0x3FD9]  }
0x89: {  	s3 =	sld [smem:$0x3FFE];
	_ =	sdelay $0x1  }
0x8a: {  	s1 =	srdreg.scid  }
0x8b: {  	s0 =	sand.u32 $0x1, s1  }
0x8c: {  	s17 =	sshll.u32 s0, $0xA;
	s2 =	sadd.s32 s3, s2  }
0x8d: {  	s2 =	sadd.s32 s2, s17  }
0x8e: {  	[smem:$0x3FBD] =	sst s2  }
0x8f: {  	_ = 	snop  }
0x90: {  	s2 =	sld [smem:$0x3FD0];
	(tm) =	ssettm $0x1  }
0x91: {  	s18 =	sld [smem:$0x3FFB];
	_ =	sdelay $0x3  }
0x92: {  	_ =	strace s18  }
0x93: {  	s3 =	sld [smem:$0x3FFC];
	_ =	sdelay $0x3  }
0x94: {  	_ =	strace s3  }
0x95: {  	s3 =	sld [smem:$0x3FFD];
	_ =	sdelay $0x3  }
0x96: {  	_ =	strace s3  }
0x97: {  	_ =	strace $0x8FFFFFFF  }
0x98: {  	s19 =	sld [smem:$0x3FDB];
	_ =	sdelay $0x1  }
0x99: {  	s4 =	simm.s32 $_scs_section_size  }
0x9a: {  	s5 =	simm.s32 $_size__tile_overlayer_lowered;
	s6 =	simm.s32 $_tile_overlayer_lowered  }
0x9b: {  	s22 =	simm.s32 $0x1BFF;
	s21 =	sshll.u32 s6, $0x1;
	s3 =	sadd.s32 s4, s19  }
0x9c: {  	s7 =	simm.s32 $0x0;
	s20 =	sshll.u32 s5, $0x1;
	s5 =	sadd.s32 s21, s3  }
0x9d: {  	[timem:s7], [sflag:s22] =	dma.local [hbm:s5], s20  }
0x9e: {  	_ =	swait.ge [sflag:s22], s20  }
0x9f: {  	s4 =	ssub.s32 $0x0, s20;
	[sflag:s22] =	ssyncset.done $0x0  }
0xa0: {  	[sflag:s22] =	ssyncadd.s32 s4;
	_ =	sdelay $0x1  }
0xa1: {  	s23 =	simm.s32 $0x1B8B  }
0xa2: {  	_ =	swait.ge [sflag:s23], $0x1  }
0xa3: {  	[sflag:s23] =	ssyncset.done $0x0  }
0xa4: {  	s25 =	simm.s32 $0x1B8E;
	s24 =	sld [smem:$0x3FFE];
	[sflag:s23] =	ssyncadd.s32 $0xFFFFFFFF  }
0xa5: {  	s26 =	simm.s32 $execute0_lowered;
	[smem:$0x3FD2] =	sst s25  }
0xa6: {  	s5 =	sshll.u32 s26, $0x1;
	_ =	strace $0x80000046;
	[dreg:$0x1] =	wrdreg $0xFFFFFFFF  }
0xa7: {  	s28 =	simm.s32 $_size_execute0_lowered;
	s3 =	sadd.s32 s3, s5;
	[dreg:$0x0] =	wrdreg $0x0  }
0xa8: {  	s5 =	sshll.u32 s28, $0x1;
	[dreg:$0x2] =	wrdreg s3  }
0xa9: {  	[dreg:$0x3] =	wrdreg s5  }
0xaa: {  	[dreg:$0x4] =	wrdreg $0xC0  }
0xab: {  	_ =	task [dreg:s7], $0x5FFFF  }
0xac: {  	[dreg:$0x1] =	wrdreg $0xFFFFFFFF  }
0xad: {  	[dreg:$0x0] =	wrdreg $0x60  }
0xae: {  	[dreg:$0x2] =	wrdreg s2  }
0xaf: {  	[dreg:$0x3] =	wrdreg s24  }
0xb0: {  	[dreg:$0x4] =	wrdreg $0x9  }
0xb1: {  	_ =	task.clear_ibuf [dreg:s7], $0x5FFFF;
	_ =	strace $0x90000046  }
0xb2: {  	s29 =	simm.s32 $0x9;
	_ =	strace $0x80000048  }
0xb3: {  	_ =	swait.ge [sflag:s29], $0x1  }
0xb4: {  	[sflag:s29] =	ssyncadd.s32 $0xFFFFFFFF  }
0xb5: {  	_ =	strace $0x90000048  }
0xb6: {  	_ =	sfence  }
0xb7: {  	s30 =	sld [smem:$0x0];
	_ =	sdelay $0x2  }
0xb8: {  	s31 =	sshll.u32 s1, $0xD;
	s1 =	sshrl.u32 s1, $0x2  }
0xb9: {  	s3 =	sand.u32 $0x4000, s31;
	s1 =	sadd.s32 s1, s30  }
0xba: {  	s0 =	sor.u32 s3, s0;
	s1 =	sshll.u32 s1, $0x11  }
0xbb: {  	s0 =	sor.u32 s1, s0  }
0xbc: {  	s0 =	sadd.s32 $0x8F2B, s0  }
0xbd: {  	[sflag:s0] =	ssyncadd.remote.s32 $0x1  }
0xbe: {  	_ =	sfence.sel $0xFFFF  }
0xbf: {  	[dreg:$0x0] =	wrdreg $0xFFFFFFFF;
	(pc) =	sbr.abs _section_cstart, $3  }
0xc0: {  	[dreg:$0x1] =	wrdreg $0xFFFFFFFF  }
0xc1: {  	_ =	task.clear_ibuf [dreg:s7], $0x2FFFF;
	_ =	strace $0x9FFFFFFF  }
0xc2: {  	(tm) =	ssettm $0x7FFFFFFF  }
0xc3: {  	_ =	shalt  }
tec
execute0_lowered:
.L_overlay_start_1:
0x0: {  	(tag) =	ssettag $0x1  }
0x1: {  	s3 =	rddreg [dreg:$0x0]  }
0x2: {  	s15 =	rddreg [dreg:$0x1];
	s4 =	srdreg.scid  }
0x3: {  	s2 =	simm.s32 $0x0;
	s1 =	stileid.u32;
	s18 =	sand.u32 $0x1, s4  }
0x4: {  	[smem:$0x7FF] =	sst s2;
	s29 =	sshll.u32 s1, $0xE;
	s5 =	sshll.u32 s18, $0xD  }
0x5: {  	s0 =	rddreg [dreg:$0x2];
	_ =	strace $0x80000047;
	s4 =	sor.u32 s5, s29  }
0x6: {  	s5 =	simm.s32 $0x2;
	s3 =	sadd.s32 s3, s4;
	s4 =	simm.s32 $0x80  }
0x7: {  	[tilespmem:s4], [sflag:$0x2] =	stream.linear.gather [hbm4b:s3+s2], $0x10000, $0x38;
	[tilespmem:$0x10080] =	vst v63  }
0x8: {  	s7 =	sshll.u32 s1, $0x7;
	s6 =	sshll.u32 s18, $0x6;
	_ =	swait.ge [sflag:s5], $0x10000  }
0x9: {  	s13 =	sadd.s32 $0x41600, s15;
	s16 =	sor.u32 s6, s7;
	[sflag:s5] =	ssyncset.done $0x0  }
0xa: {  	s6 =	sadd.s32 s13, s16;
	[sflag:s5] =	ssyncadd.s32 $0xFFFF0000  }
0xb: {  	[tilespmem:s2], [sflag:$0x2] =	stream.linear.gather [hbm4b:s6+s2], $0x80, $0x38;
	[tilespmem:$0x10080] =	vst v63  }
0xc: {  	_ =	swait.ge [sflag:s5], $0x80  }
0xd: {  	[sflag:s5] =	ssyncset.done $0x0  }
0xe: {  	s8 =	sadd.s32 $0x42600, s15;
	s7 =	simm.s32 $0x1;
	[sflag:s5] =	ssyncadd.s32 $0xFFFFFF80  }
0xf: {  	[hbm4b:s8+s4] =	stream.indirect.scatter [tilespmem:s4], [sflag:$0x1], $0x80, s2, s4, $0xb8;
	[tilespmem:$0x10080] =	vst v63  }
0x10: {  	_ =	swait.ge [sflag:s7], $0x4000  }
0x11: {  	s17 =	sor.u32 $0x10, s16;
	[sflag:s7] =	ssyncset.done $0x0  }
0x12: {  	s9 =	sadd.s32 s13, s17;
	[sflag:s7] =	ssyncadd.s32 $0xFFFFC000  }
0x13: {  	[tilespmem:s2], [sflag:$0x2] =	stream.linear.gather [hbm4b:s9+s2], $0x80, $0x38;
	[tilespmem:$0x10080] =	vst v63  }
0x14: {  	_ =	swait.ge [sflag:s5], $0x80  }
0x15: {  	[sflag:s5] =	ssyncset.done $0x0  }
0x16: {  	s10 =	simm.s32 $0x4080;
	[sflag:s5] =	ssyncadd.s32 $0xFFFFFF80  }
0x17: {  	[hbm4b:s8+s4] =	stream.indirect.scatter [tilespmem:s10], [sflag:$0x1], $0x80, s2, s4, $0xb8;
	[tilespmem:$0x10080] =	vst v63  }
0x18: {  	_ =	swait.ge [sflag:s7], $0x4000  }
0x19: {  	s19 =	sor.u32 $0x20, s16;
	[sflag:s7] =	ssyncset.done $0x0  }
0x1a: {  	s11 =	sadd.s32 s13, s19;
	[sflag:s7] =	ssyncadd.s32 $0xFFFFC000  }
0x1b: {  	[tilespmem:s2], [sflag:$0x2] =	stream.linear.gather [hbm4b:s11+s2], $0x80, $0x38;
	[tilespmem:$0x10080] =	vst v63  }
0x1c: {  	_ =	swait.ge [sflag:s5], $0x80  }
0x1d: {  	[sflag:s5] =	ssyncset.done $0x0  }
0x1e: {  	s12 =	simm.s32 $0x8080;
	[sflag:s5] =	ssyncadd.s32 $0xFFFFFF80  }
0x1f: {  	[hbm4b:s8+s4] =	stream.indirect.scatter [tilespmem:s12], [sflag:$0x1], $0x80, s2, s4, $0xb8;
	[tilespmem:$0x10080] =	vst v63  }
0x20: {  	_ =	swait.ge [sflag:s7], $0x4000  }
0x21: {  	s20 =	sor.u32 $0x30, s16;
	[sflag:s7] =	ssyncset.done $0x0  }
0x22: {  	s13 =	sadd.s32 s13, s20;
	[sflag:s7] =	ssyncadd.s32 $0xFFFFC000  }
0x23: {  	[tilespmem:s2], [sflag:$0x2] =	stream.linear.gather [hbm4b:s13+s2], $0x80, $0x38;
	[tilespmem:$0x10080] =	vst v63  }
0x24: {  	_ =	swait.ge [sflag:s5], $0x80  }
0x25: {  	[sflag:s5] =	ssyncset.done $0x0  }
0x26: {  	s14 =	simm.s32 $0xC080;
	[sflag:s5] =	ssyncadd.s32 $0xFFFFFF80  }
0x27: {  	[hbm4b:s8+s4] =	stream.indirect.scatter [tilespmem:s14], [sflag:$0x1], $0x80, s2, s4, $0xb8;
	[tilespmem:$0x10080] =	vst v63  }
0x28: {  	_ =	swait.ge [sflag:s7], $0x4000  }
0x29: {  	s21 =	sadd.s32 $0x41E00, s15;
	[sflag:s7] =	ssyncset.done $0x0  }
0x2a: {  	s15 =	sadd.s32 s21, s16;
	[sflag:s7] =	ssyncadd.s32 $0xFFFFC000  }
0x2b: {  	[tilespmem:s2], [sflag:$0x2] =	stream.linear.gather [hbm4b:s15+s2], $0x80, $0x38;
	[tilespmem:$0x10080] =	vst v63  }
0x2c: {  	_ =	swait.ge [sflag:s5], $0x80  }
0x2d: {  	[sflag:s5] =	ssyncset.done $0x0  }
0x2e: {  	[sflag:s5] =	ssyncadd.s32 $0xFFFFFF80  }
0x2f: {  	[hbm4b:s8+s4] =	stream.indirect.scatter [tilespmem:s4], [sflag:$0x1], $0x80, s2, s4, $0xb8;
	[tilespmem:$0x10080] =	vst v63  }
0x30: {  	_ =	swait.ge [sflag:s7], $0x4000  }
0x31: {  	[sflag:s7] =	ssyncset.done $0x0  }
0x32: {  	s16 =	sadd.s32 s21, s17;
	[sflag:s7] =	ssyncadd.s32 $0xFFFFC000  }
0x33: {  	[tilespmem:s2], [sflag:$0x2] =	stream.linear.gather [hbm4b:s16+s2], $0x80, $0x38;
	[tilespmem:$0x10080] =	vst v63  }
0x34: {  	_ =	swait.ge [sflag:s5], $0x80  }
0x35: {  	[sflag:s5] =	ssyncset.done $0x0  }
0x36: {  	[sflag:s5] =	ssyncadd.s32 $0xFFFFFF80  }
0x37: {  	[hbm4b:s8+s4] =	stream.indirect.scatter [tilespmem:s10], [sflag:$0x1], $0x80, s2, s4, $0xb8;
	[tilespmem:$0x10080] =	vst v63  }
0x38: {  	_ =	swait.ge [sflag:s7], $0x4000  }
0x39: {  	[sflag:s7] =	ssyncset.done $0x0  }
0x3a: {  	s17 =	sadd.s32 s21, s19;
	[sflag:s7] =	ssyncadd.s32 $0xFFFFC000  }
0x3b: {  	[tilespmem:s2], [sflag:$0x2] =	stream.linear.gather [hbm4b:s17+s2], $0x80, $0x38;
	[tilespmem:$0x10080] =	vst v63  }
0x3c: {  	_ =	swait.ge [sflag:s5], $0x80  }
0x3d: {  	[sflag:s5] =	ssyncset.done $0x0  }
0x3e: {  	s30 =	ssub.s32 $0x2, s18;
	[sflag:s5] =	ssyncadd.s32 $0xFFFFFF80  }
0x3f: {  	[hbm4b:s8+s4] =	stream.indirect.scatter [tilespmem:s12], [sflag:$0x1], $0x80, s2, s4, $0xb8;
	[tilespmem:$0x10080] =	vst v63  }
0x40: {  	s31 =	sshrl.u32 s30, $0x1;
	_ =	swait.ge [sflag:s7], $0x4000  }
0x41: {  	s19 =	ssub.s32 s30, s31;
	[sflag:s7] =	ssyncset.done $0x0  }
0x42: {  	s18 =	sadd.s32 s21, s20;
	s19 =	smax.u32 s19, $0x1;
	[sflag:s7] =	ssyncadd.s32 $0xFFFFC000  }
0x43: {  	[tilespmem:s2], [sflag:$0x2] =	stream.linear.gather [hbm4b:s18+s2], $0x80, $0x38;
	[tilespmem:$0x10080] =	vst v63  }
0x44: {  	p0 =	sne.s32 s19, $0x1;
	_ =	swait.ge [sflag:s5], $0x80  }
.Ltmp0:
0x45: {  	[sflag:s5] =	ssyncset.done $0x0;
	(pc) =	sbr.rel @!p0 .LBB2_2-.Ltmp0, $4  }
0x46: {  	[sflag:s5] =	ssyncadd.s32 $0xFFFFFF80  }
0x47: {  	[hbm4b:s8+s4] =	stream.indirect.scatter [tilespmem:s14], [sflag:$0x1], $0x80, s2, s4, $0xb8;
	[tilespmem:$0x10080] =	vst v63  }
0x48: {  	_ =	swait.ge [sflag:s7], $0x4000  }
0x49: {  	s19 =	sadd.s32 $0xFFFFFFFF, s19;
	[sflag:s7] =	ssyncset.done $0x0  }
.LBB2_1:
0x4a: {  	p0 =	sne.s32 s19, $0x1;
	s19 =	sadd.s32 $0xFFFFFFFF, s19;
	[sflag:s7] =	ssyncadd.s32 $0xFFFFC000  }
0x4b: {  	[tilespmem:s4], [sflag:$0x2] =	stream.linear.gather [hbm4b:s3+s2], $0x10000, $0x38;
	[tilespmem:$0x10080] =	vst v63  }
0x4c: {  	_ =	swait.ge [sflag:s5], $0x10000  }
0x4d: {  	[sflag:s5] =	ssyncset.done $0x0  }
0x4e: {  	[sflag:s5] =	ssyncadd.s32 $0xFFFF0000  }
0x4f: {  	[tilespmem:s2], [sflag:$0x2] =	stream.linear.gather [hbm4b:s6+s2], $0x80, $0x38;
	[tilespmem:$0x10080] =	vst v63  }
0x50: {  	_ =	swait.ge [sflag:s5], $0x80  }
0x51: {  	[sflag:s5] =	ssyncset.done $0x0  }
0x52: {  	[sflag:s5] =	ssyncadd.s32 $0xFFFFFF80  }
0x53: {  	[hbm4b:s8+s4] =	stream.indirect.scatter [tilespmem:s4], [sflag:$0x1], $0x80, s2, s4, $0xb8;
	[tilespmem:$0x10080] =	vst v63  }
0x54: {  	_ =	swait.ge [sflag:s7], $0x4000  }
0x55: {  	[sflag:s7] =	ssyncset.done $0x0  }
0x56: {  	[sflag:s7] =	ssyncadd.s32 $0xFFFFC000  }
0x57: {  	[tilespmem:s2], [sflag:$0x2] =	stream.linear.gather [hbm4b:s9+s2], $0x80, $0x38;
	[tilespmem:$0x10080] =	vst v63  }
0x58: {  	_ =	swait.ge [sflag:s5], $0x80  }
0x59: {  	[sflag:s5] =	ssyncset.done $0x0  }
0x5a: {  	[sflag:s5] =	ssyncadd.s32 $0xFFFFFF80  }
0x5b: {  	[hbm4b:s8+s4] =	stream.indirect.scatter [tilespmem:s10], [sflag:$0x1], $0x80, s2, s4, $0xb8;
	[tilespmem:$0x10080] =	vst v63  }
0x5c: {  	_ =	swait.ge [sflag:s7], $0x4000  }
0x5d: {  	[sflag:s7] =	ssyncset.done $0x0  }
0x5e: {  	[sflag:s7] =	ssyncadd.s32 $0xFFFFC000  }
0x5f: {  	[tilespmem:s2], [sflag:$0x2] =	stream.linear.gather [hbm4b:s11+s2], $0x80, $0x38;
	[tilespmem:$0x10080] =	vst v63  }
0x60: {  	_ =	swait.ge [sflag:s5], $0x80  }
0x61: {  	[sflag:s5] =	ssyncset.done $0x0  }
0x62: {  	[sflag:s5] =	ssyncadd.s32 $0xFFFFFF80  }
0x63: {  	[hbm4b:s8+s4] =	stream.indirect.scatter [tilespmem:s12], [sflag:$0x1], $0x80, s2, s4, $0xb8;
	[tilespmem:$0x10080] =	vst v63  }
0x64: {  	_ =	swait.ge [sflag:s7], $0x4000  }
0x65: {  	[sflag:s7] =	ssyncset.done $0x0  }
0x66: {  	[sflag:s7] =	ssyncadd.s32 $0xFFFFC000  }
0x67: {  	[tilespmem:s2], [sflag:$0x2] =	stream.linear.gather [hbm4b:s13+s2], $0x80, $0x38;
	[tilespmem:$0x10080] =	vst v63  }
0x68: {  	_ =	swait.ge [sflag:s5], $0x80  }
0x69: {  	[sflag:s5] =	ssyncset.done $0x0  }
0x6a: {  	[sflag:s5] =	ssyncadd.s32 $0xFFFFFF80  }
0x6b: {  	[hbm4b:s8+s4] =	stream.indirect.scatter [tilespmem:s14], [sflag:$0x1], $0x80, s2, s4, $0xb8;
	[tilespmem:$0x10080] =	vst v63  }
0x6c: {  	_ =	swait.ge [sflag:s7], $0x4000  }
0x6d: {  	[sflag:s7] =	ssyncset.done $0x0  }
0x6e: {  	[sflag:s7] =	ssyncadd.s32 $0xFFFFC000  }
0x6f: {  	[tilespmem:s2], [sflag:$0x2] =	stream.linear.gather [hbm4b:s15+s2], $0x80, $0x38;
	[tilespmem:$0x10080] =	vst v63  }
0x70: {  	_ =	swait.ge [sflag:s5], $0x80  }
0x71: {  	[sflag:s5] =	ssyncset.done $0x0  }
0x72: {  	[sflag:s5] =	ssyncadd.s32 $0xFFFFFF80  }
0x73: {  	[hbm4b:s8+s4] =	stream.indirect.scatter [tilespmem:s4], [sflag:$0x1], $0x80, s2, s4, $0xb8;
	[tilespmem:$0x10080] =	vst v63  }
0x74: {  	_ =	swait.ge [sflag:s7], $0x4000  }
0x75: {  	[sflag:s7] =	ssyncset.done $0x0  }
0x76: {  	[sflag:s7] =	ssyncadd.s32 $0xFFFFC000  }
0x77: {  	[tilespmem:s2], [sflag:$0x2] =	stream.linear.gather [hbm4b:s16+s2], $0x80, $0x38;
	[tilespmem:$0x10080] =	vst v63  }
0x78: {  	_ =	swait.ge [sflag:s5], $0x80  }
0x79: {  	[sflag:s5] =	ssyncset.done $0x0  }
0x7a: {  	[sflag:s5] =	ssyncadd.s32 $0xFFFFFF80  }
0x7b: {  	[hbm4b:s8+s4] =	stream.indirect.scatter [tilespmem:s10], [sflag:$0x1], $0x80, s2, s4, $0xb8;
	[tilespmem:$0x10080] =	vst v63  }
0x7c: {  	_ =	swait.ge [sflag:s7], $0x4000  }
0x7d: {  	[sflag:s7] =	ssyncset.done $0x0  }
0x7e: {  	[sflag:s7] =	ssyncadd.s32 $0xFFFFC000  }
0x7f: {  	[tilespmem:s2], [sflag:$0x2] =	stream.linear.gather [hbm4b:s17+s2], $0x80, $0x38;
	[tilespmem:$0x10080] =	vst v63  }
0x80: {  	_ =	swait.ge [sflag:s5], $0x80  }
0x81: {  	[sflag:s5] =	ssyncset.done $0x0  }
0x82: {  	[sflag:s5] =	ssyncadd.s32 $0xFFFFFF80  }
0x83: {  	[hbm4b:s8+s4] =	stream.indirect.scatter [tilespmem:s12], [sflag:$0x1], $0x80, s2, s4, $0xb8;
	[tilespmem:$0x10080] =	vst v63  }
0x84: {  	_ =	swait.ge [sflag:s7], $0x4000  }
0x85: {  	[sflag:s7] =	ssyncset.done $0x0  }
0x86: {  	[sflag:s7] =	ssyncadd.s32 $0xFFFFC000  }
0x87: {  	[tilespmem:s2], [sflag:$0x2] =	stream.linear.gather [hbm4b:s18+s2], $0x80, $0x38;
	[tilespmem:$0x10080] =	vst v63  }
0x88: {  	_ =	swait.ge [sflag:s5], $0x80  }
.Ltmp1:
0x89: {  	[sflag:s5] =	ssyncset.done $0x0;
	(pc) =	sbr.rel @p0 .LBB2_1-.Ltmp1, $4  }
0x8a: {  	[sflag:s5] =	ssyncadd.s32 $0xFFFFFF80  }
0x8b: {  	[hbm4b:s8+s4] =	stream.indirect.scatter [tilespmem:s14], [sflag:$0x1], $0x80, s2, s4, $0xb8;
	[tilespmem:$0x10080] =	vst v63  }
0x8c: {  	_ =	swait.ge [sflag:s7], $0x4000  }
0x8d: {  	[sflag:s7] =	ssyncset.done $0x0  }
.LBB2_2:
0x8e: {  	[sflag:s7] =	ssyncadd.s32 $0xFFFFC000  }
0x8f: {  	_ =	sfence.sel $0x180000  }
0x90: {  	[bflag:$0x0] =	sbarrier.arrive $0xFFFF  }
0x91: {  	p0 =	sne.s32 s1, $0x0;
	_ =	strace $0x90000047  }
0x92: {  	s0 =	sadd.s32 @!p0 $0x100000, s0;
	[bflag:$0x2] =	sbarrier.arrive $0xFFFF  }
0x93: {  	[sflag:s0] =	ssyncadd.tile.s32 @!p0 $0x1;
	_ =	shalt  }
.Lfunc_end2:
_tile_overlayer_lowered:
.L_overlay_start_2:
0x94: {  	(tag) =	ssettag $0x2  }
0x95: {  	s0 =	rddreg [dreg:$0x0];
	s2 =	stileid.u32  }
0x96: {  	s1 =	rddreg [dreg:$0x1];
	p0 =	sne.s32 s2, $0x0  }
0x97: {  	s3 =	rddreg [dreg:$0x2];
	[bflag:$0x3] =	sbarrier.arrive $0xFFFF;
	s2 =	simm.s32 @!p0 $0x1C02  }
0x98: {  	[timem:s3], [sflag:s2] =	dma.local @!p0 [hbm:s0], s1  }
0x99: {  	s0 =	simm.s32 @!p0 $0x2  }
0x9a: {  	_ =	swait.ge @!p0 [sflag:s0], s1  }
0x9b: {  	s1 =	ssub.s32 @!p0 $0x0, s1;
	[sflag:s0] =	ssyncset.done @!p0 $0x0  }
0x9c: {  	[sflag:s0] =	ssyncadd.s32 @!p0 s1  }
0x9d: {  	[bflag:$0x3] =	sbarrier.arrive $0xFFFF  }
0x9e: {  	_ =	shalt  }

</sc_bundles>
